<compile_context>
chip_gen: v7x
topology: tpu7x:2x2x1
jax: 0.10.2.dev20260603
libtpu: 0.0.44.dev20260713+nightly
codegen_flags: <defaults>
</compile_context>

<pallas_src>
import functools

import jax
import jax.numpy as jnp
from jax import lax
from jax.experimental import pallas as pl
from jax.experimental.pallas import tpu as pltpu
from jax.experimental.pallas import tpu_sc as plsc

_N = 10000
_D = 128
_E = 320000
_F = 4
_TBLW = 2 * _F
_PKW = _TBLW // 2

_NC = 2
_NS = 16
_NW = _NC * _NS
_WSTRIDE = 9984
_CH = 5248
_NCHUNK = 2

_HIMASK = -65536


def _mm_body(w_ref, x_ref, o_ref):
    yt = jax.lax.dot_general(
        w_ref[...], x_ref[...],
        dimension_numbers=(((1,), (1,)), ((), ())),
        preferred_element_type=jnp.float32)
    b = jax.lax.bitcast_convert_type(yt, jnp.uint32) + jnp.uint32(0x8000)
    lo = b[:_PKW, :] >> 16
    hi = b[_PKW:, :] & jnp.uint32(0xFFFF0000)
    o_ref[...] = jax.lax.bitcast_convert_type(lo | hi, jnp.int32)


def _tanh16(a, b):
    e = jnp.exp((a + b) * 2.0)
    w = 1.0 / (e + 1.0)
    return 1.0 - (w + w)


def _lo(w):
    return plsc.bitcast(w << 16, jnp.float32)


def _hi(w):
    return plsc.bitcast(w & _HIMASK, jnp.float32)


_mesh = plsc.VectorSubcoreMesh(core_axis_name="c", subcore_axis_name="s")


@functools.partial(
    pl.kernel,
    mesh=_mesh,
    out_type=jax.ShapeDtypeStruct((_F * _E,), jnp.float32),
    compiler_params=pltpu.CompilerParams(needs_layout_passes=False),
    scratch_types=[
        pltpu.VMEM((_N * _PKW,), jnp.int32),
        pltpu.VMEM((_CH,), jnp.int32),
        pltpu.VMEM((_CH,), jnp.int32),
        pltpu.VMEM((_CH,), jnp.int32),
        pltpu.VMEM((_CH,), jnp.int32),
        pltpu.VMEM((_F * _CH,), jnp.float32),
        pltpu.VMEM((_F * _CH,), jnp.float32),
        pltpu.SemaphoreType.DMA,
        pltpu.SemaphoreType.DMA,
        pltpu.SemaphoreType.DMA,
        pltpu.SemaphoreType.DMA,
        pltpu.SemaphoreType.DMA,
    ],
)
def _edge_maps(ypk_hbm, ei_hbm, out_hbm, tbl_v, r0, c0, r1, c1, o0, o1,
               sem_t, sem_i0, sem_i1, sem_o0, sem_o1):
    wid = lax.axis_index("s") * _NC + lax.axis_index("c")
    base = wid * _WSTRIDE
    rbufs = (r0, r1)
    cbufs = (c0, c1)
    obufs = (o0, o1)
    isems = (sem_i0, sem_i1)
    osems = (sem_o0, sem_o1)

    tbl_dma = pltpu.async_copy(ypk_hbm, tbl_v, sem_t)

    def _start_idx(c):
        b = c % 2
        off = base + c * _CH
        hr = pltpu.async_copy(ei_hbm.at[pl.ds(off, _CH)], rbufs[b], isems[b])
        hc = pltpu.async_copy(ei_hbm.at[pl.ds(_E + off, _CH)], cbufs[b],
                              isems[b])
        return hr, hc

    idx_dmas = [None, None]
    out_dmas = [None, None]
    idx_dmas[0] = _start_idx(0)
    tbl_dma.wait()

    for c in range(_NCHUNK):
        b = c % 2
        off = base + c * _CH
        if c + 1 < _NCHUNK:
            idx_dmas[1 - b] = _start_idx(c + 1)
        for h in idx_dmas[b]:
            h.wait()
        if out_dmas[b] is not None:
            for h in out_dmas[b]:
                h.wait()
        rows_v = rbufs[b]
        cols_v = cbufs[b]
        out_v = obufs[b]

        @plsc.parallel_loop(0, _CH, 16, unroll=2)
        def _step(i):
            be = (i // 128) * 256 + (i % 128)
            r = rows_v[pl.ds(i, 16)]
            s = cols_v[pl.ds(i, 16)]
            w0 = plsc.load_gather(tbl_v, [r])
            w1 = plsc.load_gather(tbl_v, [r + _N])
            w2 = plsc.load_gather(tbl_v, [s + 2 * _N])
            w3 = plsc.load_gather(tbl_v, [s + 3 * _N])
            pairs = ((_lo(w0), _lo(w2)), (_hi(w0), _hi(w2)),
                     (_lo(w1), _lo(w3)), (_hi(w1), _hi(w3)))
            for j, (a, bb) in enumerate(pairs):
                out_v[pl.ds((j // 2) * (2 * _CH) + be + (j % 2) * 128, 16)] = (
                    _tanh16(a, bb))

        out_dmas[b] = tuple(
            pltpu.async_copy(out_v.at[pl.ds(j1 * 2 * _CH, 2 * _CH)],
                             out_hbm.at[pl.ds(j1 * 2 * _E + 2 * off, 2 * _CH)],
                             osems[b])
            for j1 in range(2))

    for hs in out_dmas:
        if hs is not None:
            for h in hs:
                h.wait()


def kernel(x, edge_index, W):
    w1t = W[:, :_D].T
    w2t = W[:, _D:].T
    wc = jnp.concatenate([w1t, w2t], axis=1)
    wct = wc[:, jnp.array([0, 2, 4, 6, 1, 3, 5, 7])].T
    ypk2 = pl.pallas_call(
        _mm_body,
        out_shape=jax.ShapeDtypeStruct((_PKW, _N), jnp.int32),
    )(wct, x)
    out_t = _edge_maps(ypk2.reshape(-1), edge_index.reshape(-1))
    return (out_t.reshape(2, _E // 128, 2, 128)
            .transpose(1, 3, 0, 2).reshape(_E, 2, 2))

# --- scband reference (transcript-rebuilt; emitter-appended) ---
"""Pipeline reference for scband-local-concat-sheaf-learner-55628416418071 (READ-ONLY COPY).

The authoritative reference and input builder live on the scoring server;
editing this copy changes nothing except your own understanding.
"""

import jax, jax.numpy as jnp
import numpy as np


def setup_inputs(seed: int = 0) -> dict:
    key = jax.random.key(seed)
    k1, k2, k3 = jax.random.split(key, 3)
    x = jax.random.normal(k1, (10000, 128), dtype=jnp.float32)
    edge_index = jax.random.randint(k2, (2, 320000), 0, 10000, dtype=jnp.int32)
    # linear1: nn.Linear(in_channels*2=256, prod(out_shape)=4, bias=False); torch weight shape [4, 256]
    W = jax.random.normal(k3, (4, 256), dtype=jnp.float32) * 0.0625
    return {"x": x, "edge_index": edge_index, "W": W}


def reference(x, edge_index, W):
    row = edge_index[0]
    col = edge_index[1]
    x_row = jnp.take(x, row, axis=0)
    x_col = jnp.take(x, col, axis=0)
    cat = jnp.concatenate([x_row, x_col], axis=1)
    maps = cat @ W.T
    maps = jnp.tanh(maps)
    return maps.reshape(-1, 2, 2)

if __name__ == "__main__":
    import jax
    _d = setup_inputs()
    print(jax.jit(kernel)(*tuple(_d.values())))

</pallas_src>

<mosaic_0001>
#map = affine_map<(d0, d1) -> (0)>
module attributes {stable_mosaic.version = 14 : i64} {
  func.func @_edge_maps(%arg0: i32, %arg1: i32, %arg2: memref<40000xi32, #tpu.memory_space<hbm>>, %arg3: memref<640000xi32, #tpu.memory_space<hbm>>, %arg4: memref<1280000xf32, #tpu.memory_space<hbm>>, %arg5: memref<40000xi32, #tpu.memory_space<vmem>>, %arg6: memref<5248xi32, #tpu.memory_space<vmem>>, %arg7: memref<5248xi32, #tpu.memory_space<vmem>>, %arg8: memref<5248xi32, #tpu.memory_space<vmem>>, %arg9: memref<5248xi32, #tpu.memory_space<vmem>>, %arg10: memref<20992xf32, #tpu.memory_space<vmem>>, %arg11: memref<20992xf32, #tpu.memory_space<vmem>>, %arg12: memref<!tpu.dma_semaphore, #tpu.memory_space<semaphore_mem>>, %arg13: memref<!tpu.dma_semaphore, #tpu.memory_space<semaphore_mem>>, %arg14: memref<!tpu.dma_semaphore, #tpu.memory_space<semaphore_mem>>, %arg15: memref<!tpu.dma_semaphore, #tpu.memory_space<semaphore_mem>>, %arg16: memref<!tpu.dma_semaphore, #tpu.memory_space<semaphore_mem>>) attributes {dimension_semantics = [#tpu.dimension_semantics<core_parallel>, #tpu.dimension_semantics<subcore_parallel>], iteration_bounds = array<i64: 2, 16>, scalar_prefetch = 0 : i64, scratch_operands = 12 : i64, tpu.core_type = #tpu.core_type<sc_vector_subcore>, window_params = [{transform_indices = #map}, {transform_indices = #map}, {transform_indices = #map}]} {
    %mul3A = arith.constant 2 : i32
    %mul3A_0 = arith.muli %arg1, %mul3A : i32
    %add3A = arith.addi %mul3A_0, %arg0 : i32
    %mul3A_1 = arith.constant 9984 : i32
    %mul3A_2 = arith.muli %add3A, %mul3A_1 : i32
    tpu.enqueue_dma source(%arg2 : memref<40000xi32, #tpu.memory_space<hbm>>) target(%arg5 : memref<40000xi32, #tpu.memory_space<vmem>>) target_semaphore(%arg12 : memref<!tpu.dma_semaphore, #tpu.memory_space<semaphore_mem>>)
    %add3A_3 = arith.constant 0 : i32
    %add3A_4 = arith.addi %mul3A_2, %add3A_3 : i32
    %dma_start3A = tpu.memref_slice %arg3[%add3A_4] : memref<640000xi32, #tpu.memory_space<hbm>> -> memref<5248xi32, #tpu.memory_space<hbm>>
    %dma_start3A_5 = tpu.memref_slice %arg3[%add3A_4] : memref<640000xi32, #tpu.memory_space<hbm>> -> memref<5248xi32, #tpu.memory_space<hbm>>
    tpu.enqueue_dma source(%dma_start3A_5 : memref<5248xi32, #tpu.memory_space<hbm>>) target(%arg6 : memref<5248xi32, #tpu.memory_space<vmem>>) target_semaphore(%arg13 : memref<!tpu.dma_semaphore, #tpu.memory_space<semaphore_mem>>)
    %add3A_6 = arith.constant 320000 : i32
    %add3A_7 = arith.addi %add3A_6, %add3A_4 : i32
    %dma_start3A_8 = tpu.memref_slice %arg3[%add3A_7] : memref<640000xi32, #tpu.memory_space<hbm>> -> memref<5248xi32, #tpu.memory_space<hbm>>
    %dma_start3A_9 = tpu.memref_slice %arg3[%add3A_7] : memref<640000xi32, #tpu.memory_space<hbm>> -> memref<5248xi32, #tpu.memory_space<hbm>>
    tpu.enqueue_dma source(%dma_start3A_9 : memref<5248xi32, #tpu.memory_space<hbm>>) target(%arg7 : memref<5248xi32, #tpu.memory_space<vmem>>) target_semaphore(%arg13 : memref<!tpu.dma_semaphore, #tpu.memory_space<semaphore_mem>>)
    tpu.wait_dma2 semaphore(%arg12 : memref<!tpu.dma_semaphore, #tpu.memory_space<semaphore_mem>>) src(%arg2 : memref<40000xi32, #tpu.memory_space<hbm>>) dst(%arg5 : memref<40000xi32, #tpu.memory_space<vmem>>)
    %add3A_10 = arith.constant 0 : i32
    %add3A_11 = arith.addi %mul3A_2, %add3A_10 : i32
    %add3A_12 = arith.constant 5248 : i32
    %add3A_13 = arith.addi %mul3A_2, %add3A_12 : i32
    %dma_start3A_14 = tpu.memref_slice %arg3[%add3A_13] : memref<640000xi32, #tpu.memory_space<hbm>> -> memref<5248xi32, #tpu.memory_space<hbm>>
    %dma_start3A_15 = tpu.memref_slice %arg3[%add3A_13] : memref<640000xi32, #tpu.memory_space<hbm>> -> memref<5248xi32, #tpu.memory_space<hbm>>
    tpu.enqueue_dma source(%dma_start3A_15 : memref<5248xi32, #tpu.memory_space<hbm>>) target(%arg8 : memref<5248xi32, #tpu.memory_space<vmem>>) target_semaphore(%arg14 : memref<!tpu.dma_semaphore, #tpu.memory_space<semaphore_mem>>)
    %add3A_16 = arith.constant 320000 : i32
    %add3A_17 = arith.addi %add3A_16, %add3A_13 : i32
    %dma_start3A_18 = tpu.memref_slice %arg3[%add3A_17] : memref<640000xi32, #tpu.memory_space<hbm>> -> memref<5248xi32, #tpu.memory_space<hbm>>
    %dma_start3A_19 = tpu.memref_slice %arg3[%add3A_17] : memref<640000xi32, #tpu.memory_space<hbm>> -> memref<5248xi32, #tpu.memory_space<hbm>>
    tpu.enqueue_dma source(%dma_start3A_19 : memref<5248xi32, #tpu.memory_space<hbm>>) target(%arg9 : memref<5248xi32, #tpu.memory_space<vmem>>) target_semaphore(%arg14 : memref<!tpu.dma_semaphore, #tpu.memory_space<semaphore_mem>>)
    %dma_wait3A = tpu.memref_slice %arg3[%add3A_4] : memref<640000xi32, #tpu.memory_space<hbm>> -> memref<5248xi32, #tpu.memory_space<hbm>>
    %dma_wait3A_20 = tpu.memref_slice %arg3[%add3A_4] : memref<640000xi32, #tpu.memory_space<hbm>> -> memref<5248xi32, #tpu.memory_space<hbm>>
    tpu.wait_dma2 semaphore(%arg13 : memref<!tpu.dma_semaphore, #tpu.memory_space<semaphore_mem>>) src(%dma_wait3A_20 : memref<5248xi32, #tpu.memory_space<hbm>>) dst(%arg6 : memref<5248xi32, #tpu.memory_space<vmem>>)
    %dma_wait3A_21 = tpu.memref_slice %arg3[%add3A_7] : memref<640000xi32, #tpu.memory_space<hbm>> -> memref<5248xi32, #tpu.memory_space<hbm>>
    %dma_wait3A_22 = tpu.memref_slice %arg3[%add3A_7] : memref<640000xi32, #tpu.memory_space<hbm>> -> memref<5248xi32, #tpu.memory_space<hbm>>
    tpu.wait_dma2 semaphore(%arg13 : memref<!tpu.dma_semaphore, #tpu.memory_space<semaphore_mem>>) src(%dma_wait3A_22 : memref<5248xi32, #tpu.memory_space<hbm>>) dst(%arg7 : memref<5248xi32, #tpu.memory_space<vmem>>)
    %parallel_loop3A = arith.constant 0 : i32
    %parallel_loop3A_23 = arith.constant 5248 : i32
    %parallel_loop3A_24 = arith.constant 16 : i32
    scf.for %parallel_loop3A_98 = %parallel_loop3A to %parallel_loop3A_23 step %parallel_loop3A_24  : i32 {
      %parallel_loop3A_99 = arith.constant 128 : i32
      %parallel_loop3A_100 = arith.divsi %parallel_loop3A_98, %parallel_loop3A_99 : i32
      %parallel_loop3A_101 = arith.constant 0 : i32
      %parallel_loop3A_102 = arith.cmpi sgt, %parallel_loop3A_98, %parallel_loop3A_101 : i32
      %parallel_loop3A_103 = arith.extui %parallel_loop3A_102 : i1 to i32
      %parallel_loop3A_104 = arith.constant 0 : i32
      %parallel_loop3A_105 = arith.cmpi slt, %parallel_loop3A_98, %parallel_loop3A_104 : i32
      %parallel_loop3A_106 = arith.extui %parallel_loop3A_105 : i1 to i32
      %parallel_loop3A_107 = arith.subi %parallel_loop3A_103, %parallel_loop3A_106 : i32
      %parallel_loop3A_108 = arith.constant 0 : i32
      %parallel_loop3A_109 = arith.cmpi sgt, %parallel_loop3A_99, %parallel_loop3A_108 : i32
      %parallel_loop3A_110 = arith.extui %parallel_loop3A_109 : i1 to i32
      %parallel_loop3A_111 = arith.constant 0 : i32
      %parallel_loop3A_112 = arith.cmpi slt, %parallel_loop3A_99, %parallel_loop3A_111 : i32
      %parallel_loop3A_113 = arith.extui %parallel_loop3A_112 : i1 to i32
      %parallel_loop3A_114 = arith.subi %parallel_loop3A_110, %parallel_loop3A_113 : i32
      %parallel_loop3A_115 = arith.cmpi ne, %parallel_loop3A_107, %parallel_loop3A_114 : i32
      %parallel_loop3A_116 = arith.remsi %parallel_loop3A_98, %parallel_loop3A_99 : i32
      %parallel_loop3A_117 = arith.constant 0 : i32
      %parallel_loop3A_118 = arith.cmpi ne, %parallel_loop3A_116, %parallel_loop3A_117 : i32
      %parallel_loop3A_119 = arith.andi %parallel_loop3A_115, %parallel_loop3A_118 : i1
      %parallel_loop3A_120 = arith.constant 1 : i32
      %parallel_loop3A_121 = arith.subi %parallel_loop3A_100, %parallel_loop3A_120 : i32
      %parallel_loop3A_122 = arith.select %parallel_loop3A_119, %parallel_loop3A_121, %parallel_loop3A_100 : i32
      %parallel_loop3A_123 = arith.constant 256 : i32
      %parallel_loop3A_124 = arith.muli %parallel_loop3A_122, %parallel_loop3A_123 : i32
      %parallel_loop3A_125 = arith.constant 128 : i32
      %parallel_loop3A_126 = arith.constant 0 : i32
      %parallel_loop3A_127 = arith.cmpi eq, %parallel_loop3A_125, %parallel_loop3A_126 : i32
      %parallel_loop3A_128 = arith.constant 1 : i32
      %parallel_loop3A_129 = arith.select %parallel_loop3A_127, %parallel_loop3A_128, %parallel_loop3A_125 : i32
      %parallel_loop3A_130 = arith.remsi %parallel_loop3A_98, %parallel_loop3A_129 : i32
      %parallel_loop3A_131 = arith.constant 0 : i32
      %parallel_loop3A_132 = arith.cmpi ne, %parallel_loop3A_130, %parallel_loop3A_131 : i32
      %parallel_loop3A_133 = arith.constant 0 : i32
      %parallel_loop3A_134 = arith.cmpi slt, %parallel_loop3A_130, %parallel_loop3A_133 : i32
      %parallel_loop3A_135 = arith.constant 0 : i32
      %parallel_loop3A_136 = arith.cmpi slt, %parallel_loop3A_129, %parallel_loop3A_135 : i32
      %parallel_loop3A_137 = arith.xori %parallel_loop3A_134, %parallel_loop3A_136 : i1
      %parallel_loop3A_138 = arith.andi %parallel_loop3A_137, %parallel_loop3A_132 : i1
      %parallel_loop3A_139 = arith.addi %parallel_loop3A_130, %parallel_loop3A_129 : i32
      %parallel_loop3A_140 = arith.select %parallel_loop3A_138, %parallel_loop3A_139, %parallel_loop3A_130 : i32
      %parallel_loop3A_141 = arith.addi %parallel_loop3A_124, %parallel_loop3A_140 : i32
      %parallel_loop3A_142 = arith.index_cast %parallel_loop3A_98 : i32 to index
      %parallel_loop3A_143 = tpu.vector_load %arg6[%parallel_loop3A_142] {strides = array<i32>} : memref<5248xi32, #tpu.memory_space<vmem>>, vector<16xi32>,
      %parallel_loop3A_144 = arith.index_cast %parallel_loop3A_98 : i32 to index
      %parallel_loop3A_145 = tpu.vector_load %arg7[%parallel_loop3A_144] {strides = array<i32>} : memref<5248xi32, #tpu.memory_space<vmem>>, vector<16xi32>,
      %parallel_loop3A_146 = tpu.vector_load_idx %arg5[%parallel_loop3A_143] : memref<40000xi32, #tpu.memory_space<vmem>>[vector<16xi32>], vector<16xi32>,
      %parallel_loop3A_147 = arith.constant 10000 : i32
      %parallel_loop3A_148 = vector.broadcast %parallel_loop3A_147 : i32 to vector<16xi32>
      %parallel_loop3A_149 = arith.addi %parallel_loop3A_143, %parallel_loop3A_148 : vector<16xi32>
      %parallel_loop3A_150 = tpu.vector_load_idx %arg5[%parallel_loop3A_149] : memref<40000xi32, #tpu.memory_space<vmem>>[vector<16xi32>], vector<16xi32>,
      %parallel_loop3A_151 = arith.constant 20000 : i32
      %parallel_loop3A_152 = vector.broadcast %parallel_loop3A_151 : i32 to vector<16xi32>
      %parallel_loop3A_153 = arith.addi %parallel_loop3A_145, %parallel_loop3A_152 : vector<16xi32>
      %parallel_loop3A_154 = tpu.vector_load_idx %arg5[%parallel_loop3A_153] : memref<40000xi32, #tpu.memory_space<vmem>>[vector<16xi32>], vector<16xi32>,
      %parallel_loop3A_155 = arith.constant 30000 : i32
      %parallel_loop3A_156 = vector.broadcast %parallel_loop3A_155 : i32 to vector<16xi32>
      %parallel_loop3A_157 = arith.addi %parallel_loop3A_145, %parallel_loop3A_156 : vector<16xi32>
      %parallel_loop3A_158 = tpu.vector_load_idx %arg5[%parallel_loop3A_157] : memref<40000xi32, #tpu.memory_space<vmem>>[vector<16xi32>], vector<16xi32>,
      %parallel_loop3A_159 = arith.constant 16 : i32
      %parallel_loop3A_160 = vector.broadcast %parallel_loop3A_159 : i32 to vector<16xi32>
      %parallel_loop3A_161 = arith.shli %parallel_loop3A_146, %parallel_loop3A_160 : vector<16xi32>
      %parallel_loop3A_162 = vector.bitcast %parallel_loop3A_161 : vector<16xi32> to vector<16xf32>
      %parallel_loop3A_163 = arith.constant 16 : i32
      %parallel_loop3A_164 = vector.broadcast %parallel_loop3A_163 : i32 to vector<16xi32>
      %parallel_loop3A_165 = arith.shli %parallel_loop3A_154, %parallel_loop3A_164 : vector<16xi32>
      %parallel_loop3A_166 = vector.bitcast %parallel_loop3A_165 : vector<16xi32> to vector<16xf32>
      %parallel_loop3A_167 = arith.constant -65536 : i32
      %parallel_loop3A_168 = vector.broadcast %parallel_loop3A_167 : i32 to vector<16xi32>
      %parallel_loop3A_169 = arith.andi %parallel_loop3A_146, %parallel_loop3A_168 : vector<16xi32>
      %parallel_loop3A_170 = vector.bitcast %parallel_loop3A_169 : vector<16xi32> to vector<16xf32>
      %parallel_loop3A_171 = arith.constant -65536 : i32
      %parallel_loop3A_172 = vector.broadcast %parallel_loop3A_171 : i32 to vector<16xi32>
      %parallel_loop3A_173 = arith.andi %parallel_loop3A_154, %parallel_loop3A_172 : vector<16xi32>
      %parallel_loop3A_174 = vector.bitcast %parallel_loop3A_173 : vector<16xi32> to vector<16xf32>
      %parallel_loop3A_175 = arith.constant 16 : i32
      %parallel_loop3A_176 = vector.broadcast %parallel_loop3A_175 : i32 to vector<16xi32>
      %parallel_loop3A_177 = arith.shli %parallel_loop3A_150, %parallel_loop3A_176 : vector<16xi32>
      %parallel_loop3A_178 = vector.bitcast %parallel_loop3A_177 : vector<16xi32> to vector<16xf32>
      %parallel_loop3A_179 = arith.constant 16 : i32
      %parallel_loop3A_180 = vector.broadcast %parallel_loop3A_179 : i32 to vector<16xi32>
      %parallel_loop3A_181 = arith.shli %parallel_loop3A_158, %parallel_loop3A_180 : vector<16xi32>
      %parallel_loop3A_182 = vector.bitcast %parallel_loop3A_181 : vector<16xi32> to vector<16xf32>
      %parallel_loop3A_183 = arith.constant -65536 : i32
      %parallel_loop3A_184 = vector.broadcast %parallel_loop3A_183 : i32 to vector<16xi32>
      %parallel_loop3A_185 = arith.andi %parallel_loop3A_150, %parallel_loop3A_184 : vector<16xi32>
      %parallel_loop3A_186 = vector.bitcast %parallel_loop3A_185 : vector<16xi32> to vector<16xf32>
      %parallel_loop3A_187 = arith.constant -65536 : i32
      %parallel_loop3A_188 = vector.broadcast %parallel_loop3A_187 : i32 to vector<16xi32>
      %parallel_loop3A_189 = arith.andi %parallel_loop3A_158, %parallel_loop3A_188 : vector<16xi32>
      %parallel_loop3A_190 = vector.bitcast %parallel_loop3A_189 : vector<16xi32> to vector<16xf32>
      %parallel_loop3A_191 = arith.addf %parallel_loop3A_162, %parallel_loop3A_166 : vector<16xf32>
      %parallel_loop3A_192 = arith.constant 2.000000e+00 : f32
      %parallel_loop3A_193 = vector.broadcast %parallel_loop3A_192 : f32 to vector<16xf32>
      %parallel_loop3A_194 = arith.mulf %parallel_loop3A_191, %parallel_loop3A_193 : vector<16xf32>
      %parallel_loop3A_195 = math.exp %parallel_loop3A_194 : vector<16xf32>
      %parallel_loop3A_196 = arith.constant 1.000000e+00 : f32
      %parallel_loop3A_197 = vector.broadcast %parallel_loop3A_196 : f32 to vector<16xf32>
      %parallel_loop3A_198 = arith.addf %parallel_loop3A_195, %parallel_loop3A_197 : vector<16xf32>
      %parallel_loop3A_199 = arith.constant 1.000000e+00 : f32
      %parallel_loop3A_200 = vector.broadcast %parallel_loop3A_199 : f32 to vector<16xf32>
      %parallel_loop3A_201 = arith.divf %parallel_loop3A_200, %parallel_loop3A_198 : vector<16xf32>
      %parallel_loop3A_202 = arith.addf %parallel_loop3A_201, %parallel_loop3A_201 : vector<16xf32>
      %parallel_loop3A_203 = arith.constant 1.000000e+00 : f32
      %parallel_loop3A_204 = vector.broadcast %parallel_loop3A_203 : f32 to vector<16xf32>
      %parallel_loop3A_205 = arith.subf %parallel_loop3A_204, %parallel_loop3A_202 : vector<16xf32>
      %parallel_loop3A_206 = arith.constant 0 : i32
      %parallel_loop3A_207 = arith.addi %parallel_loop3A_206, %parallel_loop3A_141 : i32
      %parallel_loop3A_208 = arith.constant 0 : i32
      %parallel_loop3A_209 = arith.addi %parallel_loop3A_207, %parallel_loop3A_208 : i32
      %parallel_loop3A_210 = arith.index_cast %parallel_loop3A_209 : i32 to index
      %parallel_loop3A_211 = tpu.vector_load %arg10[%parallel_loop3A_210] {strides = array<i32>} : memref<20992xf32, #tpu.memory_space<vmem>>, vector<16xf32>,
      tpu.vector_store %arg10[%parallel_loop3A_210], %parallel_loop3A_205 {strides = array<i32>} : memref<20992xf32, #tpu.memory_space<vmem>>, vector<16xf32>,
      %parallel_loop3A_212 = arith.addf %parallel_loop3A_170, %parallel_loop3A_174 : vector<16xf32>
      %parallel_loop3A_213 = arith.constant 2.000000e+00 : f32
      %parallel_loop3A_214 = vector.broadcast %parallel_loop3A_213 : f32 to vector<16xf32>
      %parallel_loop3A_215 = arith.mulf %parallel_loop3A_212, %parallel_loop3A_214 : vector<16xf32>
      %parallel_loop3A_216 = math.exp %parallel_loop3A_215 : vector<16xf32>
      %parallel_loop3A_217 = arith.constant 1.000000e+00 : f32
      %parallel_loop3A_218 = vector.broadcast %parallel_loop3A_217 : f32 to vector<16xf32>
      %parallel_loop3A_219 = arith.addf %parallel_loop3A_216, %parallel_loop3A_218 : vector<16xf32>
      %parallel_loop3A_220 = arith.constant 1.000000e+00 : f32
      %parallel_loop3A_221 = vector.broadcast %parallel_loop3A_220 : f32 to vector<16xf32>
      %parallel_loop3A_222 = arith.divf %parallel_loop3A_221, %parallel_loop3A_219 : vector<16xf32>
      %parallel_loop3A_223 = arith.addf %parallel_loop3A_222, %parallel_loop3A_222 : vector<16xf32>
      %parallel_loop3A_224 = arith.constant 1.000000e+00 : f32
      %parallel_loop3A_225 = vector.broadcast %parallel_loop3A_224 : f32 to vector<16xf32>
      %parallel_loop3A_226 = arith.subf %parallel_loop3A_225, %parallel_loop3A_223 : vector<16xf32>
      %parallel_loop3A_227 = arith.constant 0 : i32
      %parallel_loop3A_228 = arith.addi %parallel_loop3A_227, %parallel_loop3A_141 : i32
      %parallel_loop3A_229 = arith.constant 128 : i32
      %parallel_loop3A_230 = arith.addi %parallel_loop3A_228, %parallel_loop3A_229 : i32
      %parallel_loop3A_231 = arith.index_cast %parallel_loop3A_230 : i32 to index
      %parallel_loop3A_232 = tpu.vector_load %arg10[%parallel_loop3A_231] {strides = array<i32>} : memref<20992xf32, #tpu.memory_space<vmem>>, vector<16xf32>,
      tpu.vector_store %arg10[%parallel_loop3A_231], %parallel_loop3A_226 {strides = array<i32>} : memref<20992xf32, #tpu.memory_space<vmem>>, vector<16xf32>,
      %parallel_loop3A_233 = arith.addf %parallel_loop3A_178, %parallel_loop3A_182 : vector<16xf32>
      %parallel_loop3A_234 = arith.constant 2.000000e+00 : f32
      %parallel_loop3A_235 = vector.broadcast %parallel_loop3A_234 : f32 to vector<16xf32>
      %parallel_loop3A_236 = arith.mulf %parallel_loop3A_233, %parallel_loop3A_235 : vector<16xf32>
      %parallel_loop3A_237 = math.exp %parallel_loop3A_236 : vector<16xf32>
      %parallel_loop3A_238 = arith.constant 1.000000e+00 : f32
      %parallel_loop3A_239 = vector.broadcast %parallel_loop3A_238 : f32 to vector<16xf32>
      %parallel_loop3A_240 = arith.addf %parallel_loop3A_237, %parallel_loop3A_239 : vector<16xf32>
      %parallel_loop3A_241 = arith.constant 1.000000e+00 : f32
      %parallel_loop3A_242 = vector.broadcast %parallel_loop3A_241 : f32 to vector<16xf32>
      %parallel_loop3A_243 = arith.divf %parallel_loop3A_242, %parallel_loop3A_240 : vector<16xf32>
      %parallel_loop3A_244 = arith.addf %parallel_loop3A_243, %parallel_loop3A_243 : vector<16xf32>
      %parallel_loop3A_245 = arith.constant 1.000000e+00 : f32
      %parallel_loop3A_246 = vector.broadcast %parallel_loop3A_245 : f32 to vector<16xf32>
      %parallel_loop3A_247 = arith.subf %parallel_loop3A_246, %parallel_loop3A_244 : vector<16xf32>
      %parallel_loop3A_248 = arith.constant 10496 : i32
      %parallel_loop3A_249 = arith.addi %parallel_loop3A_248, %parallel_loop3A_141 : i32
      %parallel_loop3A_250 = arith.constant 0 : i32
      %parallel_loop3A_251 = arith.addi %parallel_loop3A_249, %parallel_loop3A_250 : i32
      %parallel_loop3A_252 = arith.index_cast %parallel_loop3A_251 : i32 to index
      %parallel_loop3A_253 = tpu.vector_load %arg10[%parallel_loop3A_252] {strides = array<i32>} : memref<20992xf32, #tpu.memory_space<vmem>>, vector<16xf32>,
      tpu.vector_store %arg10[%parallel_loop3A_252], %parallel_loop3A_247 {strides = array<i32>} : memref<20992xf32, #tpu.memory_space<vmem>>, vector<16xf32>,
      %parallel_loop3A_254 = arith.addf %parallel_loop3A_186, %parallel_loop3A_190 : vector<16xf32>
      %parallel_loop3A_255 = arith.constant 2.000000e+00 : f32
      %parallel_loop3A_256 = vector.broadcast %parallel_loop3A_255 : f32 to vector<16xf32>
      %parallel_loop3A_257 = arith.mulf %parallel_loop3A_254, %parallel_loop3A_256 : vector<16xf32>
      %parallel_loop3A_258 = math.exp %parallel_loop3A_257 : vector<16xf32>
      %parallel_loop3A_259 = arith.constant 1.000000e+00 : f32
      %parallel_loop3A_260 = vector.broadcast %parallel_loop3A_259 : f32 to vector<16xf32>
      %parallel_loop3A_261 = arith.addf %parallel_loop3A_258, %parallel_loop3A_260 : vector<16xf32>
      %parallel_loop3A_262 = arith.constant 1.000000e+00 : f32
      %parallel_loop3A_263 = vector.broadcast %parallel_loop3A_262 : f32 to vector<16xf32>
      %parallel_loop3A_264 = arith.divf %parallel_loop3A_263, %parallel_loop3A_261 : vector<16xf32>
      %parallel_loop3A_265 = arith.addf %parallel_loop3A_264, %parallel_loop3A_264 : vector<16xf32>
      %parallel_loop3A_266 = arith.constant 1.000000e+00 : f32
      %parallel_loop3A_267 = vector.broadcast %parallel_loop3A_266 : f32 to vector<16xf32>
      %parallel_loop3A_268 = arith.subf %parallel_loop3A_267, %parallel_loop3A_265 : vector<16xf32>
      %parallel_loop3A_269 = arith.constant 10496 : i32
      %parallel_loop3A_270 = arith.addi %parallel_loop3A_269, %parallel_loop3A_141 : i32
      %parallel_loop3A_271 = arith.constant 128 : i32
      %parallel_loop3A_272 = arith.addi %parallel_loop3A_270, %parallel_loop3A_271 : i32
      %parallel_loop3A_273 = arith.index_cast %parallel_loop3A_272 : i32 to index
      %parallel_loop3A_274 = tpu.vector_load %arg10[%parallel_loop3A_273] {strides = array<i32>} : memref<20992xf32, #tpu.memory_space<vmem>>, vector<16xf32>,
      tpu.vector_store %arg10[%parallel_loop3A_273], %parallel_loop3A_268 {strides = array<i32>} : memref<20992xf32, #tpu.memory_space<vmem>>, vector<16xf32>,
    } {sc.loop_unroll_factor = 2 : i64, sc.parallel_access}
    %mul3A_25 = arith.constant 2 : i32
    %mul3A_26 = arith.muli %mul3A_25, %add3A_11 : i32
    %add3A_27 = arith.constant 0 : i32
    %add3A_28 = arith.addi %add3A_27, %mul3A_26 : i32
    %dma_start3A_29 = arith.constant 0 : i32
    %dma_start3A_30 = tpu.memref_slice %arg10[%dma_start3A_29] : memref<20992xf32, #tpu.memory_space<vmem>> -> memref<10496xf32, #tpu.memory_space<vmem>>
    %dma_start3A_31 = tpu.memref_slice %arg4[%add3A_28] : memref<1280000xf32, #tpu.memory_space<hbm>> -> memref<10496xf32, #tpu.memory_space<hbm>>
    %dma_start3A_32 = tpu.memref_slice %arg4[%add3A_28] : memref<1280000xf32, #tpu.memory_space<hbm>> -> memref<10496xf32, #tpu.memory_space<hbm>>
    %dma_start3A_33 = arith.constant 0 : i32
    %dma_start3A_34 = tpu.memref_slice %arg10[%dma_start3A_33] : memref<20992xf32, #tpu.memory_space<vmem>> -> memref<10496xf32, #tpu.memory_space<vmem>>
    tpu.enqueue_dma source(%dma_start3A_34 : memref<10496xf32, #tpu.memory_space<vmem>>) target(%dma_start3A_32 : memref<10496xf32, #tpu.memory_space<hbm>>) target_semaphore(%arg15 : memref<!tpu.dma_semaphore, #tpu.memory_space<semaphore_mem>>)
    %mul3A_35 = arith.constant 2 : i32
    %mul3A_36 = arith.muli %mul3A_35, %add3A_11 : i32
    %add3A_37 = arith.constant 640000 : i32
    %add3A_38 = arith.addi %add3A_37, %mul3A_36 : i32
    %dma_start3A_39 = arith.constant 10496 : i32
    %dma_start3A_40 = tpu.memref_slice %arg10[%dma_start3A_39] : memref<20992xf32, #tpu.memory_space<vmem>> -> memref<10496xf32, #tpu.memory_space<vmem>>
    %dma_start3A_41 = tpu.memref_slice %arg4[%add3A_38] : memref<1280000xf32, #tpu.memory_space<hbm>> -> memref<10496xf32, #tpu.memory_space<hbm>>
    %dma_start3A_42 = tpu.memref_slice %arg4[%add3A_38] : memref<1280000xf32, #tpu.memory_space<hbm>> -> memref<10496xf32, #tpu.memory_space<hbm>>
    %dma_start3A_43 = arith.constant 10496 : i32
    %dma_start3A_44 = tpu.memref_slice %arg10[%dma_start3A_43] : memref<20992xf32, #tpu.memory_space<vmem>> -> memref<10496xf32, #tpu.memory_space<vmem>>
    tpu.enqueue_dma source(%dma_start3A_44 : memref<10496xf32, #tpu.memory_space<vmem>>) target(%dma_start3A_42 : memref<10496xf32, #tpu.memory_space<hbm>>) target_semaphore(%arg15 : memref<!tpu.dma_semaphore, #tpu.memory_space<semaphore_mem>>)
    %add3A_45 = arith.constant 5248 : i32
    %add3A_46 = arith.addi %mul3A_2, %add3A_45 : i32
    %dma_wait3A_47 = tpu.memref_slice %arg3[%add3A_13] : memref<640000xi32, #tpu.memory_space<hbm>> -> memref<5248xi32, #tpu.memory_space<hbm>>
    %dma_wait3A_48 = tpu.memref_slice %arg3[%add3A_13] : memref<640000xi32, #tpu.memory_space<hbm>> -> memref<5248xi32, #tpu.memory_space<hbm>>
    tpu.wait_dma2 semaphore(%arg14 : memref<!tpu.dma_semaphore, #tpu.memory_space<semaphore_mem>>) src(%dma_wait3A_48 : memref<5248xi32, #tpu.memory_space<hbm>>) dst(%arg8 : memref<5248xi32, #tpu.memory_space<vmem>>)
    %dma_wait3A_49 = tpu.memref_slice %arg3[%add3A_17] : memref<640000xi32, #tpu.memory_space<hbm>> -> memref<5248xi32, #tpu.memory_space<hbm>>
    %dma_wait3A_50 = tpu.memref_slice %arg3[%add3A_17] : memref<640000xi32, #tpu.memory_space<hbm>> -> memref<5248xi32, #tpu.memory_space<hbm>>
    tpu.wait_dma2 semaphore(%arg14 : memref<!tpu.dma_semaphore, #tpu.memory_space<semaphore_mem>>) src(%dma_wait3A_50 : memref<5248xi32, #tpu.memory_space<hbm>>) dst(%arg9 : memref<5248xi32, #tpu.memory_space<vmem>>)
    %parallel_loop3A_51 = arith.constant 0 : i32
    %parallel_loop3A_52 = arith.constant 5248 : i32
    %parallel_loop3A_53 = arith.constant 16 : i32
    scf.for %parallel_loop3A_98 = %parallel_loop3A_51 to %parallel_loop3A_52 step %parallel_loop3A_53  : i32 {
      %parallel_loop3A_99 = arith.constant 128 : i32
      %parallel_loop3A_100 = arith.divsi %parallel_loop3A_98, %parallel_loop3A_99 : i32
      %parallel_loop3A_101 = arith.constant 0 : i32
      %parallel_loop3A_102 = arith.cmpi sgt, %parallel_loop3A_98, %parallel_loop3A_101 : i32
      %parallel_loop3A_103 = arith.extui %parallel_loop3A_102 : i1 to i32
      %parallel_loop3A_104 = arith.constant 0 : i32
      %parallel_loop3A_105 = arith.cmpi slt, %parallel_loop3A_98, %parallel_loop3A_104 : i32
      %parallel_loop3A_106 = arith.extui %parallel_loop3A_105 : i1 to i32
      %parallel_loop3A_107 = arith.subi %parallel_loop3A_103, %parallel_loop3A_106 : i32
      %parallel_loop3A_108 = arith.constant 0 : i32
      %parallel_loop3A_109 = arith.cmpi sgt, %parallel_loop3A_99, %parallel_loop3A_108 : i32
      %parallel_loop3A_110 = arith.extui %parallel_loop3A_109 : i1 to i32
      %parallel_loop3A_111 = arith.constant 0 : i32
      %parallel_loop3A_112 = arith.cmpi slt, %parallel_loop3A_99, %parallel_loop3A_111 : i32
      %parallel_loop3A_113 = arith.extui %parallel_loop3A_112 : i1 to i32
      %parallel_loop3A_114 = arith.subi %parallel_loop3A_110, %parallel_loop3A_113 : i32
      %parallel_loop3A_115 = arith.cmpi ne, %parallel_loop3A_107, %parallel_loop3A_114 : i32
      %parallel_loop3A_116 = arith.remsi %parallel_loop3A_98, %parallel_loop3A_99 : i32
      %parallel_loop3A_117 = arith.constant 0 : i32
      %parallel_loop3A_118 = arith.cmpi ne, %parallel_loop3A_116, %parallel_loop3A_117 : i32
      %parallel_loop3A_119 = arith.andi %parallel_loop3A_115, %parallel_loop3A_118 : i1
      %parallel_loop3A_120 = arith.constant 1 : i32
      %parallel_loop3A_121 = arith.subi %parallel_loop3A_100, %parallel_loop3A_120 : i32
      %parallel_loop3A_122 = arith.select %parallel_loop3A_119, %parallel_loop3A_121, %parallel_loop3A_100 : i32
      %parallel_loop3A_123 = arith.constant 256 : i32
      %parallel_loop3A_124 = arith.muli %parallel_loop3A_122, %parallel_loop3A_123 : i32
      %parallel_loop3A_125 = arith.constant 128 : i32
      %parallel_loop3A_126 = arith.constant 0 : i32
      %parallel_loop3A_127 = arith.cmpi eq, %parallel_loop3A_125, %parallel_loop3A_126 : i32
      %parallel_loop3A_128 = arith.constant 1 : i32
      %parallel_loop3A_129 = arith.select %parallel_loop3A_127, %parallel_loop3A_128, %parallel_loop3A_125 : i32
      %parallel_loop3A_130 = arith.remsi %parallel_loop3A_98, %parallel_loop3A_129 : i32
      %parallel_loop3A_131 = arith.constant 0 : i32
      %parallel_loop3A_132 = arith.cmpi ne, %parallel_loop3A_130, %parallel_loop3A_131 : i32
      %parallel_loop3A_133 = arith.constant 0 : i32
      %parallel_loop3A_134 = arith.cmpi slt, %parallel_loop3A_130, %parallel_loop3A_133 : i32
      %parallel_loop3A_135 = arith.constant 0 : i32
      %parallel_loop3A_136 = arith.cmpi slt, %parallel_loop3A_129, %parallel_loop3A_135 : i32
      %parallel_loop3A_137 = arith.xori %parallel_loop3A_134, %parallel_loop3A_136 : i1
      %parallel_loop3A_138 = arith.andi %parallel_loop3A_137, %parallel_loop3A_132 : i1
      %parallel_loop3A_139 = arith.addi %parallel_loop3A_130, %parallel_loop3A_129 : i32
      %parallel_loop3A_140 = arith.select %parallel_loop3A_138, %parallel_loop3A_139, %parallel_loop3A_130 : i32
      %parallel_loop3A_141 = arith.addi %parallel_loop3A_124, %parallel_loop3A_140 : i32
      %parallel_loop3A_142 = arith.index_cast %parallel_loop3A_98 : i32 to index
      %parallel_loop3A_143 = tpu.vector_load %arg8[%parallel_loop3A_142] {strides = array<i32>} : memref<5248xi32, #tpu.memory_space<vmem>>, vector<16xi32>,
      %parallel_loop3A_144 = arith.index_cast %parallel_loop3A_98 : i32 to index
      %parallel_loop3A_145 = tpu.vector_load %arg9[%parallel_loop3A_144] {strides = array<i32>} : memref<5248xi32, #tpu.memory_space<vmem>>, vector<16xi32>,
      %parallel_loop3A_146 = tpu.vector_load_idx %arg5[%parallel_loop3A_143] : memref<40000xi32, #tpu.memory_space<vmem>>[vector<16xi32>], vector<16xi32>,
      %parallel_loop3A_147 = arith.constant 10000 : i32
      %parallel_loop3A_148 = vector.broadcast %parallel_loop3A_147 : i32 to vector<16xi32>
      %parallel_loop3A_149 = arith.addi %parallel_loop3A_143, %parallel_loop3A_148 : vector<16xi32>
      %parallel_loop3A_150 = tpu.vector_load_idx %arg5[%parallel_loop3A_149] : memref<40000xi32, #tpu.memory_space<vmem>>[vector<16xi32>], vector<16xi32>,
      %parallel_loop3A_151 = arith.constant 20000 : i32
      %parallel_loop3A_152 = vector.broadcast %parallel_loop3A_151 : i32 to vector<16xi32>
      %parallel_loop3A_153 = arith.addi %parallel_loop3A_145, %parallel_loop3A_152 : vector<16xi32>
      %parallel_loop3A_154 = tpu.vector_load_idx %arg5[%parallel_loop3A_153] : memref<40000xi32, #tpu.memory_space<vmem>>[vector<16xi32>], vector<16xi32>,
      %parallel_loop3A_155 = arith.constant 30000 : i32
      %parallel_loop3A_156 = vector.broadcast %parallel_loop3A_155 : i32 to vector<16xi32>
      %parallel_loop3A_157 = arith.addi %parallel_loop3A_145, %parallel_loop3A_156 : vector<16xi32>
      %parallel_loop3A_158 = tpu.vector_load_idx %arg5[%parallel_loop3A_157] : memref<40000xi32, #tpu.memory_space<vmem>>[vector<16xi32>], vector<16xi32>,
      %parallel_loop3A_159 = arith.constant 16 : i32
      %parallel_loop3A_160 = vector.broadcast %parallel_loop3A_159 : i32 to vector<16xi32>
      %parallel_loop3A_161 = arith.shli %parallel_loop3A_146, %parallel_loop3A_160 : vector<16xi32>
      %parallel_loop3A_162 = vector.bitcast %parallel_loop3A_161 : vector<16xi32> to vector<16xf32>
      %parallel_loop3A_163 = arith.constant 16 : i32
      %parallel_loop3A_164 = vector.broadcast %parallel_loop3A_163 : i32 to vector<16xi32>
      %parallel_loop3A_165 = arith.shli %parallel_loop3A_154, %parallel_loop3A_164 : vector<16xi32>
      %parallel_loop3A_166 = vector.bitcast %parallel_loop3A_165 : vector<16xi32> to vector<16xf32>
      %parallel_loop3A_167 = arith.constant -65536 : i32
      %parallel_loop3A_168 = vector.broadcast %parallel_loop3A_167 : i32 to vector<16xi32>
      %parallel_loop3A_169 = arith.andi %parallel_loop3A_146, %parallel_loop3A_168 : vector<16xi32>
      %parallel_loop3A_170 = vector.bitcast %parallel_loop3A_169 : vector<16xi32> to vector<16xf32>
      %parallel_loop3A_171 = arith.constant -65536 : i32
      %parallel_loop3A_172 = vector.broadcast %parallel_loop3A_171 : i32 to vector<16xi32>
      %parallel_loop3A_173 = arith.andi %parallel_loop3A_154, %parallel_loop3A_172 : vector<16xi32>
      %parallel_loop3A_174 = vector.bitcast %parallel_loop3A_173 : vector<16xi32> to vector<16xf32>
      %parallel_loop3A_175 = arith.constant 16 : i32
      %parallel_loop3A_176 = vector.broadcast %parallel_loop3A_175 : i32 to vector<16xi32>
      %parallel_loop3A_177 = arith.shli %parallel_loop3A_150, %parallel_loop3A_176 : vector<16xi32>
      %parallel_loop3A_178 = vector.bitcast %parallel_loop3A_177 : vector<16xi32> to vector<16xf32>
      %parallel_loop3A_179 = arith.constant 16 : i32
      %parallel_loop3A_180 = vector.broadcast %parallel_loop3A_179 : i32 to vector<16xi32>
      %parallel_loop3A_181 = arith.shli %parallel_loop3A_158, %parallel_loop3A_180 : vector<16xi32>
      %parallel_loop3A_182 = vector.bitcast %parallel_loop3A_181 : vector<16xi32> to vector<16xf32>
      %parallel_loop3A_183 = arith.constant -65536 : i32
      %parallel_loop3A_184 = vector.broadcast %parallel_loop3A_183 : i32 to vector<16xi32>
      %parallel_loop3A_185 = arith.andi %parallel_loop3A_150, %parallel_loop3A_184 : vector<16xi32>
      %parallel_loop3A_186 = vector.bitcast %parallel_loop3A_185 : vector<16xi32> to vector<16xf32>
      %parallel_loop3A_187 = arith.constant -65536 : i32
      %parallel_loop3A_188 = vector.broadcast %parallel_loop3A_187 : i32 to vector<16xi32>
      %parallel_loop3A_189 = arith.andi %parallel_loop3A_158, %parallel_loop3A_188 : vector<16xi32>
      %parallel_loop3A_190 = vector.bitcast %parallel_loop3A_189 : vector<16xi32> to vector<16xf32>
      %parallel_loop3A_191 = arith.addf %parallel_loop3A_162, %parallel_loop3A_166 : vector<16xf32>
      %parallel_loop3A_192 = arith.constant 2.000000e+00 : f32
      %parallel_loop3A_193 = vector.broadcast %parallel_loop3A_192 : f32 to vector<16xf32>
      %parallel_loop3A_194 = arith.mulf %parallel_loop3A_191, %parallel_loop3A_193 : vector<16xf32>
      %parallel_loop3A_195 = math.exp %parallel_loop3A_194 : vector<16xf32>
      %parallel_loop3A_196 = arith.constant 1.000000e+00 : f32
      %parallel_loop3A_197 = vector.broadcast %parallel_loop3A_196 : f32 to vector<16xf32>
      %parallel_loop3A_198 = arith.addf %parallel_loop3A_195, %parallel_loop3A_197 : vector<16xf32>
      %parallel_loop3A_199 = arith.constant 1.000000e+00 : f32
      %parallel_loop3A_200 = vector.broadcast %parallel_loop3A_199 : f32 to vector<16xf32>
      %parallel_loop3A_201 = arith.divf %parallel_loop3A_200, %parallel_loop3A_198 : vector<16xf32>
      %parallel_loop3A_202 = arith.addf %parallel_loop3A_201, %parallel_loop3A_201 : vector<16xf32>
      %parallel_loop3A_203 = arith.constant 1.000000e+00 : f32
      %parallel_loop3A_204 = vector.broadcast %parallel_loop3A_203 : f32 to vector<16xf32>
      %parallel_loop3A_205 = arith.subf %parallel_loop3A_204, %parallel_loop3A_202 : vector<16xf32>
      %parallel_loop3A_206 = arith.constant 0 : i32
      %parallel_loop3A_207 = arith.addi %parallel_loop3A_206, %parallel_loop3A_141 : i32
      %parallel_loop3A_208 = arith.constant 0 : i32
      %parallel_loop3A_209 = arith.addi %parallel_loop3A_207, %parallel_loop3A_208 : i32
      %parallel_loop3A_210 = arith.index_cast %parallel_loop3A_209 : i32 to index
      %parallel_loop3A_211 = tpu.vector_load %arg11[%parallel_loop3A_210] {strides = array<i32>} : memref<20992xf32, #tpu.memory_space<vmem>>, vector<16xf32>,
      tpu.vector_store %arg11[%parallel_loop3A_210], %parallel_loop3A_205 {strides = array<i32>} : memref<20992xf32, #tpu.memory_space<vmem>>, vector<16xf32>,
      %parallel_loop3A_212 = arith.addf %parallel_loop3A_170, %parallel_loop3A_174 : vector<16xf32>
      %parallel_loop3A_213 = arith.constant 2.000000e+00 : f32
      %parallel_loop3A_214 = vector.broadcast %parallel_loop3A_213 : f32 to vector<16xf32>
      %parallel_loop3A_215 = arith.mulf %parallel_loop3A_212, %parallel_loop3A_214 : vector<16xf32>
      %parallel_loop3A_216 = math.exp %parallel_loop3A_215 : vector<16xf32>
      %parallel_loop3A_217 = arith.constant 1.000000e+00 : f32
      %parallel_loop3A_218 = vector.broadcast %parallel_loop3A_217 : f32 to vector<16xf32>
      %parallel_loop3A_219 = arith.addf %parallel_loop3A_216, %parallel_loop3A_218 : vector<16xf32>
      %parallel_loop3A_220 = arith.constant 1.000000e+00 : f32
      %parallel_loop3A_221 = vector.broadcast %parallel_loop3A_220 : f32 to vector<16xf32>
      %parallel_loop3A_222 = arith.divf %parallel_loop3A_221, %parallel_loop3A_219 : vector<16xf32>
      %parallel_loop3A_223 = arith.addf %parallel_loop3A_222, %parallel_loop3A_222 : vector<16xf32>
      %parallel_loop3A_224 = arith.constant 1.000000e+00 : f32
      %parallel_loop3A_225 = vector.broadcast %parallel_loop3A_224 : f32 to vector<16xf32>
      %parallel_loop3A_226 = arith.subf %parallel_loop3A_225, %parallel_loop3A_223 : vector<16xf32>
      %parallel_loop3A_227 = arith.constant 0 : i32
      %parallel_loop3A_228 = arith.addi %parallel_loop3A_227, %parallel_loop3A_141 : i32
      %parallel_loop3A_229 = arith.constant 128 : i32
      %parallel_loop3A_230 = arith.addi %parallel_loop3A_228, %parallel_loop3A_229 : i32
      %parallel_loop3A_231 = arith.index_cast %parallel_loop3A_230 : i32 to index
      %parallel_loop3A_232 = tpu.vector_load %arg11[%parallel_loop3A_231] {strides = array<i32>} : memref<20992xf32, #tpu.memory_space<vmem>>, vector<16xf32>,
      tpu.vector_store %arg11[%parallel_loop3A_231], %parallel_loop3A_226 {strides = array<i32>} : memref<20992xf32, #tpu.memory_space<vmem>>, vector<16xf32>,
      %parallel_loop3A_233 = arith.addf %parallel_loop3A_178, %parallel_loop3A_182 : vector<16xf32>
      %parallel_loop3A_234 = arith.constant 2.000000e+00 : f32
      %parallel_loop3A_235 = vector.broadcast %parallel_loop3A_234 : f32 to vector<16xf32>
      %parallel_loop3A_236 = arith.mulf %parallel_loop3A_233, %parallel_loop3A_235 : vector<16xf32>
      %parallel_loop3A_237 = math.exp %parallel_loop3A_236 : vector<16xf32>
      %parallel_loop3A_238 = arith.constant 1.000000e+00 : f32
      %parallel_loop3A_239 = vector.broadcast %parallel_loop3A_238 : f32 to vector<16xf32>
      %parallel_loop3A_240 = arith.addf %parallel_loop3A_237, %parallel_loop3A_239 : vector<16xf32>
      %parallel_loop3A_241 = arith.constant 1.000000e+00 : f32
      %parallel_loop3A_242 = vector.broadcast %parallel_loop3A_241 : f32 to vector<16xf32>
      %parallel_loop3A_243 = arith.divf %parallel_loop3A_242, %parallel_loop3A_240 : vector<16xf32>
      %parallel_loop3A_244 = arith.addf %parallel_loop3A_243, %parallel_loop3A_243 : vector<16xf32>
      %parallel_loop3A_245 = arith.constant 1.000000e+00 : f32
      %parallel_loop3A_246 = vector.broadcast %parallel_loop3A_245 : f32 to vector<16xf32>
      %parallel_loop3A_247 = arith.subf %parallel_loop3A_246, %parallel_loop3A_244 : vector<16xf32>
      %parallel_loop3A_248 = arith.constant 10496 : i32
      %parallel_loop3A_249 = arith.addi %parallel_loop3A_248, %parallel_loop3A_141 : i32
      %parallel_loop3A_250 = arith.constant 0 : i32
      %parallel_loop3A_251 = arith.addi %parallel_loop3A_249, %parallel_loop3A_250 : i32
      %parallel_loop3A_252 = arith.index_cast %parallel_loop3A_251 : i32 to index
      %parallel_loop3A_253 = tpu.vector_load %arg11[%parallel_loop3A_252] {strides = array<i32>} : memref<20992xf32, #tpu.memory_space<vmem>>, vector<16xf32>,
      tpu.vector_store %arg11[%parallel_loop3A_252], %parallel_loop3A_247 {strides = array<i32>} : memref<20992xf32, #tpu.memory_space<vmem>>, vector<16xf32>,
      %parallel_loop3A_254 = arith.addf %parallel_loop3A_186, %parallel_loop3A_190 : vector<16xf32>
      %parallel_loop3A_255 = arith.constant 2.000000e+00 : f32
      %parallel_loop3A_256 = vector.broadcast %parallel_loop3A_255 : f32 to vector<16xf32>
      %parallel_loop3A_257 = arith.mulf %parallel_loop3A_254, %parallel_loop3A_256 : vector<16xf32>
      %parallel_loop3A_258 = math.exp %parallel_loop3A_257 : vector<16xf32>
      %parallel_loop3A_259 = arith.constant 1.000000e+00 : f32
      %parallel_loop3A_260 = vector.broadcast %parallel_loop3A_259 : f32 to vector<16xf32>
      %parallel_loop3A_261 = arith.addf %parallel_loop3A_258, %parallel_loop3A_260 : vector<16xf32>
      %parallel_loop3A_262 = arith.constant 1.000000e+00 : f32
      %parallel_loop3A_263 = vector.broadcast %parallel_loop3A_262 : f32 to vector<16xf32>
      %parallel_loop3A_264 = arith.divf %parallel_loop3A_263, %parallel_loop3A_261 : vector<16xf32>
      %parallel_loop3A_265 = arith.addf %parallel_loop3A_264, %parallel_loop3A_264 : vector<16xf32>
      %parallel_loop3A_266 = arith.constant 1.000000e+00 : f32
      %parallel_loop3A_267 = vector.broadcast %parallel_loop3A_266 : f32 to vector<16xf32>
      %parallel_loop3A_268 = arith.subf %parallel_loop3A_267, %parallel_loop3A_265 : vector<16xf32>
      %parallel_loop3A_269 = arith.constant 10496 : i32
      %parallel_loop3A_270 = arith.addi %parallel_loop3A_269, %parallel_loop3A_141 : i32
      %parallel_loop3A_271 = arith.constant 128 : i32
      %parallel_loop3A_272 = arith.addi %parallel_loop3A_270, %parallel_loop3A_271 : i32
      %parallel_loop3A_273 = arith.index_cast %parallel_loop3A_272 : i32 to index
      %parallel_loop3A_274 = tpu.vector_load %arg11[%parallel_loop3A_273] {strides = array<i32>} : memref<20992xf32, #tpu.memory_space<vmem>>, vector<16xf32>,
      tpu.vector_store %arg11[%parallel_loop3A_273], %parallel_loop3A_268 {strides = array<i32>} : memref<20992xf32, #tpu.memory_space<vmem>>, vector<16xf32>,
    } {sc.loop_unroll_factor = 2 : i64, sc.parallel_access}
    %mul3A_54 = arith.constant 2 : i32
    %mul3A_55 = arith.muli %mul3A_54, %add3A_46 : i32
    %add3A_56 = arith.constant 0 : i32
    %add3A_57 = arith.addi %add3A_56, %mul3A_55 : i32
    %dma_start3A_58 = arith.constant 0 : i32
    %dma_start3A_59 = tpu.memref_slice %arg11[%dma_start3A_58] : memref<20992xf32, #tpu.memory_space<vmem>> -> memref<10496xf32, #tpu.memory_space<vmem>>
    %dma_start3A_60 = tpu.memref_slice %arg4[%add3A_57] : memref<1280000xf32, #tpu.memory_space<hbm>> -> memref<10496xf32, #tpu.memory_space<hbm>>
    %dma_start3A_61 = tpu.memref_slice %arg4[%add3A_57] : memref<1280000xf32, #tpu.memory_space<hbm>> -> memref<10496xf32, #tpu.memory_space<hbm>>
    %dma_start3A_62 = arith.constant 0 : i32
    %dma_start3A_63 = tpu.memref_slice %arg11[%dma_start3A_62] : memref<20992xf32, #tpu.memory_space<vmem>> -> memref<10496xf32, #tpu.memory_space<vmem>>
    tpu.enqueue_dma source(%dma_start3A_63 : memref<10496xf32, #tpu.memory_space<vmem>>) target(%dma_start3A_61 : memref<10496xf32, #tpu.memory_space<hbm>>) target_semaphore(%arg16 : memref<!tpu.dma_semaphore, #tpu.memory_space<semaphore_mem>>)
    %mul3A_64 = arith.constant 2 : i32
    %mul3A_65 = arith.muli %mul3A_64, %add3A_46 : i32
    %add3A_66 = arith.constant 640000 : i32
    %add3A_67 = arith.addi %add3A_66, %mul3A_65 : i32
    %dma_start3A_68 = arith.constant 10496 : i32
    %dma_start3A_69 = tpu.memref_slice %arg11[%dma_start3A_68] : memref<20992xf32, #tpu.memory_space<vmem>> -> memref<10496xf32, #tpu.memory_space<vmem>>
    %dma_start3A_70 = tpu.memref_slice %arg4[%add3A_67] : memref<1280000xf32, #tpu.memory_space<hbm>> -> memref<10496xf32, #tpu.memory_space<hbm>>
    %dma_start3A_71 = tpu.memref_slice %arg4[%add3A_67] : memref<1280000xf32, #tpu.memory_space<hbm>> -> memref<10496xf32, #tpu.memory_space<hbm>>
    %dma_start3A_72 = arith.constant 10496 : i32
    %dma_start3A_73 = tpu.memref_slice %arg11[%dma_start3A_72] : memref<20992xf32, #tpu.memory_space<vmem>> -> memref<10496xf32, #tpu.memory_space<vmem>>
    tpu.enqueue_dma source(%dma_start3A_73 : memref<10496xf32, #tpu.memory_space<vmem>>) target(%dma_start3A_71 : memref<10496xf32, #tpu.memory_space<hbm>>) target_semaphore(%arg16 : memref<!tpu.dma_semaphore, #tpu.memory_space<semaphore_mem>>)
    %dma_wait3A_74 = arith.constant 0 : i32
    %dma_wait3A_75 = tpu.memref_slice %arg10[%dma_wait3A_74] : memref<20992xf32, #tpu.memory_space<vmem>> -> memref<10496xf32, #tpu.memory_space<vmem>>
    %dma_wait3A_76 = tpu.memref_slice %arg4[%add3A_28] : memref<1280000xf32, #tpu.memory_space<hbm>> -> memref<10496xf32, #tpu.memory_space<hbm>>
    %dma_wait3A_77 = tpu.memref_slice %arg4[%add3A_28] : memref<1280000xf32, #tpu.memory_space<hbm>> -> memref<10496xf32, #tpu.memory_space<hbm>>
    %dma_wait3A_78 = arith.constant 0 : i32
    %dma_wait3A_79 = tpu.memref_slice %arg10[%dma_wait3A_78] : memref<20992xf32, #tpu.memory_space<vmem>> -> memref<10496xf32, #tpu.memory_space<vmem>>
    tpu.wait_dma2 semaphore(%arg15 : memref<!tpu.dma_semaphore, #tpu.memory_space<semaphore_mem>>) src(%dma_wait3A_79 : memref<10496xf32, #tpu.memory_space<vmem>>) dst(%dma_wait3A_77 : memref<10496xf32, #tpu.memory_space<hbm>>)
    %dma_wait3A_80 = arith.constant 10496 : i32
    %dma_wait3A_81 = tpu.memref_slice %arg10[%dma_wait3A_80] : memref<20992xf32, #tpu.memory_space<vmem>> -> memref<10496xf32, #tpu.memory_space<vmem>>
    %dma_wait3A_82 = tpu.memref_slice %arg4[%add3A_38] : memref<1280000xf32, #tpu.memory_space<hbm>> -> memref<10496xf32, #tpu.memory_space<hbm>>
    %dma_wait3A_83 = tpu.memref_slice %arg4[%add3A_38] : memref<1280000xf32, #tpu.memory_space<hbm>> -> memref<10496xf32, #tpu.memory_space<hbm>>
    %dma_wait3A_84 = arith.constant 10496 : i32
    %dma_wait3A_85 = tpu.memref_slice %arg10[%dma_wait3A_84] : memref<20992xf32, #tpu.memory_space<vmem>> -> memref<10496xf32, #tpu.memory_space<vmem>>
    tpu.wait_dma2 semaphore(%arg15 : memref<!tpu.dma_semaphore, #tpu.memory_space<semaphore_mem>>) src(%dma_wait3A_85 : memref<10496xf32, #tpu.memory_space<vmem>>) dst(%dma_wait3A_83 : memref<10496xf32, #tpu.memory_space<hbm>>)
    %dma_wait3A_86 = arith.constant 0 : i32
    %dma_wait3A_87 = tpu.memref_slice %arg11[%dma_wait3A_86] : memref<20992xf32, #tpu.memory_space<vmem>> -> memref<10496xf32, #tpu.memory_space<vmem>>
    %dma_wait3A_88 = tpu.memref_slice %arg4[%add3A_57] : memref<1280000xf32, #tpu.memory_space<hbm>> -> memref<10496xf32, #tpu.memory_space<hbm>>
    %dma_wait3A_89 = tpu.memref_slice %arg4[%add3A_57] : memref<1280000xf32, #tpu.memory_space<hbm>> -> memref<10496xf32, #tpu.memory_space<hbm>>
    %dma_wait3A_90 = arith.constant 0 : i32
    %dma_wait3A_91 = tpu.memref_slice %arg11[%dma_wait3A_90] : memref<20992xf32, #tpu.memory_space<vmem>> -> memref<10496xf32, #tpu.memory_space<vmem>>
    tpu.wait_dma2 semaphore(%arg16 : memref<!tpu.dma_semaphore, #tpu.memory_space<semaphore_mem>>) src(%dma_wait3A_91 : memref<10496xf32, #tpu.memory_space<vmem>>) dst(%dma_wait3A_89 : memref<10496xf32, #tpu.memory_space<hbm>>)
    %dma_wait3A_92 = arith.constant 10496 : i32
    %dma_wait3A_93 = tpu.memref_slice %arg11[%dma_wait3A_92] : memref<20992xf32, #tpu.memory_space<vmem>> -> memref<10496xf32, #tpu.memory_space<vmem>>
    %dma_wait3A_94 = tpu.memref_slice %arg4[%add3A_67] : memref<1280000xf32, #tpu.memory_space<hbm>> -> memref<10496xf32, #tpu.memory_space<hbm>>
    %dma_wait3A_95 = tpu.memref_slice %arg4[%add3A_67] : memref<1280000xf32, #tpu.memory_space<hbm>> -> memref<10496xf32, #tpu.memory_space<hbm>>
    %dma_wait3A_96 = arith.constant 10496 : i32
    %dma_wait3A_97 = tpu.memref_slice %arg11[%dma_wait3A_96] : memref<20992xf32, #tpu.memory_space<vmem>> -> memref<10496xf32, #tpu.memory_space<vmem>>
    tpu.wait_dma2 semaphore(%arg16 : memref<!tpu.dma_semaphore, #tpu.memory_space<semaphore_mem>>) src(%dma_wait3A_97 : memref<10496xf32, #tpu.memory_space<vmem>>) dst(%dma_wait3A_95 : memref<10496xf32, #tpu.memory_space<hbm>>)
    return
  }
}

module attributes {stable_mosaic.version = 14 : i64} {
  func.func @_mm_body(%arg0: memref<8x128xf32, #tpu.memory_space<vmem>>, %arg1: memref<10000x128xf32, #tpu.memory_space<vmem>>, %arg2: memref<4x10000xi32, #tpu.memory_space<vmem>>) attributes {dimension_semantics = [], scalar_prefetch = 0 : i64, scratch_operands = 0 : i64, tpu.core_type = #tpu.core_type<tc>} {
    %get3A = arith.constant 0 : index
    %get3A_0 = arith.constant 0 : index
    %get3A_1 = vector.load %arg0[%get3A, %get3A_0] : memref<8x128xf32, #tpu.memory_space<vmem>>, vector<8x128xf32>
    %get3A_2 = arith.constant 0 : index
    %get3A_3 = arith.constant 0 : index
    %get3A_4 = vector.load %arg1[%get3A_2, %get3A_3] : memref<10000x128xf32, #tpu.memory_space<vmem>>, vector<10000x128xf32>
    %dot_general3A = arith.constant dense<0.000000e+00> : vector<8x10000xf32>
    %dot_general3A_5 = tpu.matmul %get3A_1, %get3A_4, %dot_general3A {dimension_numbers = #tpu.dot_dimension_numbers<[1], [1], [0], [0], [0, 0, 1, 0], [], []>, transpose_lhs_hint = false} : vector<8x128xf32>, vector<10000x128xf32>, vector<8x10000xf32> -> vector<8x10000xf32>
    %bitcast_convert_type3A = tpu.bitcast %dot_general3A_5 : vector<8x10000xf32> -> vector<8x10000xi32>
    %add3A = arith.constant 32768 : i32
    %add3A_6 = vector.broadcast %add3A : i32 to vector<8x10000xi32>
    %add3A_7 = arith.addi %bitcast_convert_type3A, %add3A_6 : vector<8x10000xi32>
    %slice3A = vector.extract_strided_slice %add3A_7 {offsets = [0, 0], sizes = [4, 10000], strides = [1, 1]} : vector<8x10000xi32> to vector<4x10000xi32>
    %shift_right_logical3A = arith.constant 16 : i32
    %shift_right_logical3A_8 = vector.broadcast %shift_right_logical3A : i32 to vector<4x10000xi32>
    %shift_right_logical3A_9 = arith.shrui %slice3A, %shift_right_logical3A_8 : vector<4x10000xi32>
    %slice3A_10 = vector.extract_strided_slice %add3A_7 {offsets = [4, 0], sizes = [4, 10000], strides = [1, 1]} : vector<8x10000xi32> to vector<4x10000xi32>
    %and3A = arith.constant -65536 : i32
    %and3A_11 = vector.broadcast %and3A : i32 to vector<4x10000xi32>
    %and3A_12 = arith.andi %slice3A_10, %and3A_11 : vector<4x10000xi32>
    %or3A = arith.ori %shift_right_logical3A_9, %and3A_12 : vector<4x10000xi32>
    %bitcast_convert_type3A_13 = tpu.bitcast %or3A : vector<4x10000xi32> -> vector<4x10000xi32>
    %swap3A = arith.constant 0 : index
    %swap3A_14 = arith.constant 0 : index
    %swap3A_15 = vector.load %arg2[%swap3A, %swap3A_14] : memref<4x10000xi32, #tpu.memory_space<vmem>>, vector<4x10000xi32>
    tpu.vector_store %arg2[%swap3A, %swap3A_14], %bitcast_convert_type3A_13 {strides = array<i32>} : memref<4x10000xi32, #tpu.memory_space<vmem>>, vector<4x10000xi32>,
    return
  }
}

</mosaic_0001>

<sc_bundles>
// kernel: kernel.4.cloned.1.call-start
scs
__scs_entry_jumppad:
0x0: {  	(pc) =	sbr.rel $0x88, $3  }
0x1: {  	(tag) =	ssettag $0x0;
	lr =	simm.s32 $0x1  }
0x2: {  	[smem:$0x3F9E] =	sst lr;
	_ =	strace $0xD0000000  }
0x3: {  	_ = 	snop  }
0x4: {  	_ = 	snop  }
0x5: {  	_ = 	snop  }
0x6: {  	_ = 	snop  }
0x7: {  	_ = 	snop  }
__scs_overlays_trampoline_lowered:
0x8: {  	[smem:$0x3FAD] =	sst s0  }
0x9: {  	[smem:$0x3FAE] =	sst s1  }
0xa: {  	[smem:$0x3FAF] =	sst s2  }
0xb: {  	[smem:$0x3FB0] =	sst s3  }
0xc: {  	[smem:$0x3FB1] =	sst s4  }
0xd: {  	[smem:$0x3FB2] =	sst s5  }
0xe: {  	[smem:$0x3FB3] =	sst s6  }
0xf: {  	[smem:$0x3FB4] =	sst s7  }
0x10: {  	[smem:$0x3FB5] =	sst s8  }
0x11: {  	[smem:$0x3FB6] =	sst s9;
	s0 =	simm.s32 @!p0 $0x0  }
0x12: {  	s1 =	sld [smem:$0x3F9C];
	s0 =	simm.s32 @p0 $0x1  }
0x13: {  	[smem:$0x3FB7] =	sst s0;
	s0 =	simm.s32 @!p1 $0x0  }
0x14: {  	s2 =	sld [smem:$0x3F9B];
	s0 =	simm.s32 @p1 $0x1  }
0x15: {  	[smem:$0x3FB8] =	sst s0;
	s0 =	simm.s32 @!p2 $0x0  }
0x16: {  	s3 =	sld [smem:$0x3FDB];
	s0 =	simm.s32 @p2 $0x1  }
0x17: {  	s4 =	simm.s32 $0x1BF5;
	[smem:$0x3FBA] =	sst s0  }
0x18: {  	s0 =	sld [smem:$0x3F9D];
	_ =	swait.ge [sflag:s4], $0x0  }
0x19: {  	s7 =	sld [smem:$0x3F9E]  }
0x1a: {  	s8 =	sadd.s32 $0xFFFFE003, lr  }
0x1b: {  	s9 =	sadd.s32 $0xFFFFFEF7, lr;
	s5 =	simm.s32 $0xFFFFFFFF;
	p2 =	slt.u32 s8, $0xFFFFF086  }
0x1c: {  	p1 =	slt.u32 s9, $0xF7A;
	s5 =	simm.s32 @!p2 $0x0  }
0x1d: {  	s5 =	simm.s32 @p1 $0x1;
	p0 =	seq.s32 s7, s2  }
0x1e: {  	s7 =	smul.u32 @!p0 $0xF7A, s2;
	p2 =	seq.s32 @!p0 s5, $0x0  }
0x1f: {  	s9 =	smul.u32 $0xF7A, s1;
	s8 =	simm.s32 @!p0 $0x1BF5;
	p2 =	por !p2, p0  }
0x20: {  	[sflag:s8] =	ssyncset.s32 @!p0 $0xFFFFF086;
	s6 =	sadd.s32 @!p0 s3, s7;
	s7 =	simm.s32 @!p0 $0x108  }
0x21: {  	s3 =	sadd.s32 s3, s9;
	s6 =	sadd.s32 @!p0 $0x88, s6;
	s7 =	simm.s32 @p2 $0x1082  }
0x22: {  	[simem:s7], [sflag:s8] =	dma.local @!p0 [hbm:s6], $0xF7A  }
0x23: {  	s9 =	sor.u32 $0xD0000000, s2;
	s6 =	simm.s32 $0x108;
	_ =	swait.ge @!p0 [sflag:s8], $0x0  }
0x24: {  	s3 =	sadd.s32 $0x88, s3;
	s6 =	simm.s32 @!p1 $0x1082;
	[sflag:s4] =	ssyncset.s32 $0xFFFFF086  }
0x25: {  	[simem:s6], [sflag:s4] =	dma.local [hbm:s3], $0xF7A  }
0x26: {  	[smem:$0x3F9E] =	sst s1;
	(tag) =	ssettag s2;
	_ =	strace s9  }
0x27: {  	s1 =	sld [smem:$0x3FAE]  }
0x28: {  	s2 =	sld [smem:$0x3FAF]  }
0x29: {  	s4 =	sld [smem:$0x3FB1]  }
0x2a: {  	p0 =	seq.s32 s5, $0x0;
	s5 =	sld [smem:$0x3FB2]  }
0x2b: {  	s6 =	sld [smem:$0x3FB3]  }
0x2c: {  	s7 =	sld [smem:$0x3FB4]  }
0x2d: {  	s3 =	simm.s32 $0x108;
	s8 =	sld [smem:$0x3FB5]  }
0x2e: {  	s3 =	simm.s32 @!p0 $0x1082;
	s9 =	sld [smem:$0x3FB6]  }
0x2f: {  	lr =	sadd.s32 s0, s3;
	s0 =	sld [smem:$0x3FAD]  }
0x30: {  	s3 =	sld [smem:$0x3FB0]  }
0x31: {  	[smem:$0x3FB9] =	sst s10  }
0x32: {  	s10 =	sld [smem:$0x3FB7];
	_ =	sdelay $0x3  }
0x33: {  	p0 =	seq.s32 s10, $0x1;
	s10 =	sld [smem:$0x3FB9];
	_ =	sdelay $0x3  }
0x34: {  	[smem:$0x3FB9] =	sst s10  }
0x35: {  	s10 =	sld [smem:$0x3FB8];
	_ =	sdelay $0x3  }
0x36: {  	p1 =	seq.s32 s10, $0x1;
	s10 =	sld [smem:$0x3FB9];
	_ =	sdelay $0x3  }
0x37: {  	[smem:$0x3FB9] =	sst s10  }
0x38: {  	s10 =	sld [smem:$0x3FBA]  }
0x39: {  	_ = 	snop;
	(pc) =	sbr.ind lr, $3  }
0x3a: {  	_ = 	snop  }
0x3b: {  	_ = 	snop  }
0x3c: {  	p2 =	seq.s32 s10, $0x1;
	s10 =	sld [smem:$0x3FB9]  }
0x3d: {  	_ =	shalt  }
0x3e: {  	_ =	shalt  }
0x3f: {  	_ =	shalt  }
0x40: {  	_ =	shalt  }
0x41: {  	_ =	shalt  }
0x42: {  	_ =	shalt  }
0x43: {  	_ =	shalt  }
0x44: {  	_ =	shalt  }
0x45: {  	_ =	shalt  }
0x46: {  	_ =	shalt  }
0x47: {  	_ =	shalt  }
0x48: {  	_ =	shalt  }
0x49: {  	_ =	shalt  }
0x4a: {  	_ =	shalt  }
0x4b: {  	_ =	shalt  }
0x4c: {  	_ =	shalt  }
0x4d: {  	_ =	shalt  }
0x4e: {  	_ =	shalt  }
0x4f: {  	_ =	shalt  }
0x50: {  	_ =	shalt  }
0x51: {  	_ =	shalt  }
0x52: {  	_ =	shalt  }
0x53: {  	_ =	shalt  }
0x54: {  	_ =	shalt  }
0x55: {  	_ =	shalt  }
0x56: {  	_ =	shalt  }
0x57: {  	_ =	shalt  }
0x58: {  	_ =	shalt  }
0x59: {  	_ =	shalt  }
0x5a: {  	_ =	shalt  }
0x5b: {  	_ =	shalt  }
0x5c: {  	_ =	shalt  }
0x5d: {  	_ =	shalt  }
0x5e: {  	_ =	shalt  }
0x5f: {  	_ =	shalt  }
0x60: {  	_ =	shalt  }
0x61: {  	_ =	shalt  }
0x62: {  	_ =	shalt  }
0x63: {  	_ =	shalt  }
0x64: {  	_ =	shalt  }
0x65: {  	_ =	shalt  }
0x66: {  	_ =	shalt  }
0x67: {  	_ =	shalt  }
0x68: {  	_ =	shalt  }
0x69: {  	_ =	shalt  }
0x6a: {  	_ =	shalt  }
0x6b: {  	_ =	shalt  }
0x6c: {  	_ =	shalt  }
0x6d: {  	_ =	shalt  }
0x6e: {  	_ =	shalt  }
0x6f: {  	_ =	shalt  }
0x70: {  	_ =	shalt  }
0x71: {  	_ =	shalt  }
0x72: {  	_ =	shalt  }
0x73: {  	_ =	shalt  }
0x74: {  	_ =	shalt  }
0x75: {  	_ =	shalt  }
0x76: {  	_ =	shalt  }
0x77: {  	_ =	shalt  }
0x78: {  	_ =	shalt  }
0x79: {  	_ =	shalt  }
0x7a: {  	_ =	shalt  }
0x7b: {  	_ =	shalt  }
0x7c: {  	_ =	shalt  }
0x7d: {  	_ =	shalt  }
0x7e: {  	_ =	shalt  }
0x7f: {  	_ =	shalt  }
0x80: {  	_ =	shalt  }
0x81: {  	_ =	shalt  }
0x82: {  	_ =	shalt  }
0x83: {  	_ =	shalt  }
0x84: {  	_ =	shalt  }
0x85: {  	_ =	shalt  }
0x86: {  	_ =	shalt  }
0x87: {  	_ =	shalt  }
.Lfunc_end0:
.L_simem_size_0:
called_computation_lowered:
.L_overlay_start_0:
0x88: {  	s2 =	sld [smem:$0x3FD9]  }
0x89: {  	s3 =	sld [smem:$0x3FFE];
	_ =	sdelay $0x1  }
0x8a: {  	s1 =	srdreg.scid  }
0x8b: {  	s0 =	sand.u32 $0x1, s1  }
0x8c: {  	s17 =	sshll.u32 s0, $0xA;
	s2 =	sadd.s32 s3, s2  }
0x8d: {  	s2 =	sadd.s32 s2, s17  }
0x8e: {  	[smem:$0x3FC5] =	sst s2  }
0x8f: {  	_ = 	snop  }
0x90: {  	s2 =	sld [smem:$0x3FD0];
	(tm) =	ssettm $0x1  }
0x91: {  	s18 =	sld [smem:$0x3FFB];
	_ =	sdelay $0x3  }
0x92: {  	_ =	strace s18  }
0x93: {  	s3 =	sld [smem:$0x3FFC];
	_ =	sdelay $0x3  }
0x94: {  	_ =	strace s3  }
0x95: {  	s3 =	sld [smem:$0x3FFD];
	_ =	sdelay $0x3  }
0x96: {  	_ =	strace s3  }
0x97: {  	_ =	strace $0x8FFFFFFF  }
0x98: {  	s19 =	sld [smem:$0x3FDB];
	_ =	sdelay $0x1  }
0x99: {  	s4 =	simm.s32 $_scs_section_size  }
0x9a: {  	s5 =	simm.s32 $_size__tile_overlayer_lowered;
	s6 =	simm.s32 $_tile_overlayer_lowered  }
0x9b: {  	s22 =	simm.s32 $0x1BFF;
	s21 =	sshll.u32 s6, $0x1;
	s3 =	sadd.s32 s4, s19  }
0x9c: {  	s7 =	simm.s32 $0x0;
	s20 =	sshll.u32 s5, $0x1;
	s5 =	sadd.s32 s21, s3  }
0x9d: {  	[timem:s7], [sflag:s22] =	dma.local [hbm:s5], s20  }
0x9e: {  	_ =	swait.ge [sflag:s22], s20  }
0x9f: {  	s4 =	ssub.s32 $0x0, s20;
	[sflag:s22] =	ssyncset.done $0x0  }
0xa0: {  	[sflag:s22] =	ssyncadd.s32 s4;
	_ =	sdelay $0x1  }
0xa1: {  	s23 =	simm.s32 $0x1B8B  }
0xa2: {  	_ =	swait.ge [sflag:s23], $0x1  }
0xa3: {  	[sflag:s23] =	ssyncset.done $0x0  }
0xa4: {  	s25 =	simm.s32 $0x1B8E;
	s24 =	sld [smem:$0x3FFE];
	[sflag:s23] =	ssyncadd.s32 $0xFFFFFFFF  }
0xa5: {  	s26 =	simm.s32 $execute0_lowered;
	[smem:$0x3FD2] =	sst s25  }
0xa6: {  	s5 =	sshll.u32 s26, $0x1;
	_ =	strace $0x80000046;
	[dreg:$0x1] =	wrdreg $0xFFFFFFFF  }
0xa7: {  	s28 =	simm.s32 $_size_execute0_lowered;
	s3 =	sadd.s32 s3, s5;
	[dreg:$0x0] =	wrdreg $0x0  }
0xa8: {  	s5 =	sshll.u32 s28, $0x1;
	[dreg:$0x2] =	wrdreg s3  }
0xa9: {  	[dreg:$0x3] =	wrdreg s5  }
0xaa: {  	[dreg:$0x4] =	wrdreg $0xC0  }
0xab: {  	_ =	task [dreg:s7], $0x5FFFF  }
0xac: {  	[dreg:$0x1] =	wrdreg $0xFFFFFFFF  }
0xad: {  	[dreg:$0x0] =	wrdreg $0x60  }
0xae: {  	[dreg:$0x2] =	wrdreg s24  }
0xaf: {  	[dreg:$0x3] =	wrdreg s2  }
0xb0: {  	[dreg:$0x4] =	wrdreg $0x9  }
0xb1: {  	_ =	task.clear_ibuf [dreg:s7], $0x5FFFF;
	_ =	strace $0x90000046  }
0xb2: {  	s29 =	simm.s32 $0x9;
	_ =	strace $0x80000048  }
0xb3: {  	_ =	swait.ge [sflag:s29], $0x1  }
0xb4: {  	[sflag:s29] =	ssyncadd.s32 $0xFFFFFFFF  }
0xb5: {  	_ =	strace $0x90000048  }
0xb6: {  	_ =	sfence  }
0xb7: {  	s30 =	sld [smem:$0x0];
	_ =	sdelay $0x2  }
0xb8: {  	s31 =	sshll.u32 s1, $0xD;
	s1 =	sshrl.u32 s1, $0x2  }
0xb9: {  	s3 =	sand.u32 $0x4000, s31;
	s1 =	sadd.s32 s1, s30  }
0xba: {  	s0 =	sor.u32 s3, s0;
	s1 =	sshll.u32 s1, $0x11  }
0xbb: {  	s0 =	sor.u32 s1, s0  }
0xbc: {  	s0 =	sadd.s32 $0x8F2B, s0  }
0xbd: {  	[sflag:s0] =	ssyncadd.remote.s32 $0x1  }
0xbe: {  	_ =	sfence.sel $0xFFFF  }
0xbf: {  	[dreg:$0x0] =	wrdreg $0xFFFFFFFF;
	(pc) =	sbr.abs _section_cstart, $3  }
0xc0: {  	[dreg:$0x1] =	wrdreg $0xFFFFFFFF  }
0xc1: {  	_ =	task.clear_ibuf [dreg:s7], $0x2FFFF;
	_ =	strace $0x9FFFFFFF  }
0xc2: {  	(tm) =	ssettm $0x7FFFFFFF  }
0xc3: {  	_ =	shalt  }
tec
execute0_lowered:
.L_overlay_start_1:
0x0: {  	(tag) =	ssettag $0x1  }
0x1: {  	s0 =	rddreg [dreg:$0x0];
	s1 =	srdreg.scid  }
0x2: {  	s2 =	stileid.u32;
	s8 =	rddreg [dreg:$0x1];
	s15 =	simm.s32 $0x1  }
0x3: {  	s18 =	simm.s32 $0x2;
	s21 =	simm.s32 $0x3;
	s24 =	simm.s32 $0x4  }
0x4: {  	s25 =	simm.s32 $0x5;
	s26 =	simm.s32 $0x0;
	s1 =	sand.u32 $0x1, s1  }
0x5: {  	s3 =	sshll.u32 s2, $0x1;
	s2 =	simm.s32 $0x0;
	s28 =	sadd.s32 $0xA00, s0  }
0x6: {  	s0 =	sadd.s32 $0x1E00, s0;
	s5 =	sor.u32 s1, s3;
	[smem:$0x7FF] =	sst s2  }
0x7: {  	s1 =	ssub.s32 $0x2, s1;
	s6 =	smul.u32 $0x2700, s5;
	_ =	strace $0x80000047  }
0x8: {  	[dreg:$0x3] =	wrdreg s28;
	s7 =	sshrl.u32 s1, $0x1;
	s9 =	smul.u32 $0x4E00, s5  }
0x9: {  	s1 =	ssub.s32 s1, s7;
	s4 =	sshrl.u32 s6, $0x3;
	s6 =	sadd.s32 $0x1480, s6  }
0xa: {  	s9 =	sshrl.u32 s9, $0x3;
	s12 =	smax.u32 s1, $0x1;
	s4 =	sadd.s32 s0, s4  }
0xb: {  	s30 =	sshrl.u32 s6, $0x3;
	s10 =	sshrl.u32 s6, $0x2;
	s29 =	sadd.s32 $0x9C40, s4  }
0xc: {  	s7 =	sadd.s32 s8, s9;
	s0 =	sadd.s32 s0, s30;
	[dreg:$0x4] =	wrdreg s29  }
0xd: {  	s8 =	sadd.s32 s8, s10;
	s31 =	sadd.s32 $0x9ED0, s4;
	[dreg:$0x5] =	wrdreg s0  }
0xe: {  	s10 =	sadd.s32 $0x13880, s7;
	[dreg:$0x6] =	wrdreg s31;
	s11 =	sadd.s32 $0x13880, s8  }
.LBB2_1:
0xf: {  	s0 =	rddreg [dreg:$0x3]  }
0x10: {  	[tilespmem:s2], [sflag:$0x1] =	stream.linear.gather [hbm4b:s0+s2], $0x9C80, $0x38;
	[tilespmem:$0x19280] =	vst v63  }
0x11: {  	s5 =	simm.s32 $0x9C80  }
0x12: {  	[tilespmem:s5], [sflag:$0x2] =	stream.linear.gather [hbm4b:s4+s2], $0x1480, $0x38;
	[tilespmem:$0x19280] =	vst v63  }
0x13: {  	s6 =	rddreg [dreg:$0x4];
	s1 =	simm.s32 $0xB100  }
0x14: {  	[tilespmem:s1], [sflag:$0x2] =	stream.linear.gather [hbm4b:s6+s2], $0x1480, $0x38;
	[tilespmem:$0x19280] =	vst v63  }
0x15: {  	_ =	swait.ge [sflag:s15], $0x9C80  }
0x16: {  	[sflag:s15] =	ssyncset.done $0x0  }
0x17: {  	s13 =	simm.s32 $0xC580;
	s9 =	rddreg [dreg:$0x5];
	[sflag:s15] =	ssyncadd.s32 $0xFFFF6380  }
0x18: {  	[tilespmem:s13], [sflag:$0x3] =	stream.linear.gather [hbm4b:s9+s2], $0x1480, $0x38;
	[tilespmem:$0x19280] =	vst v63  }
0x19: {  	s16 =	simm.s32 $0xDA00;
	s14 =	rddreg [dreg:$0x6]  }
0x1a: {  	[tilespmem:s16], [sflag:$0x3] =	stream.linear.gather [hbm4b:s14+s2], $0x1480, $0x38;
	[tilespmem:$0x19280] =	vst v63  }
0x1b: {  	_ =	swait.ge [sflag:s18], $0x1480  }
0x1c: {  	[sflag:s18] =	ssyncset.done $0x0  }
0x1d: {  	[sflag:s18] =	ssyncadd.s32 $0xFFFFEB80  }
0x1e: {  	_ =	swait.ge [sflag:s18], $0x1480  }
0x1f: {  	[sflag:s18] =	ssyncset.done $0x0  }
0x20: {  	s17 =	simm.s32 $0xB110;
	[sflag:s18] =	ssyncadd.s32 $0xFFFFEB80  }
0x21: {  	s19 =	simm.s32 $0x9C90;
	v0 =	vld [tilespmem:s17+$0x0]  }
0x22: {  	v1 =	vld [tilespmem:s19+$0x0];
	_ =	sdelay $0x1  }
0x23: {  	v5 =	vld [tilespmem:s17+$0xFFFFFFF0]  }
0x24: {  	v3 =	vld [tilespmem:s19+$0xFFFFFFF0]  }
0x25: {  	v2 =	vadd.s32 $0x4E20, v0  }
0x26: {  	v4 =	vadd.s32 $0x2710, v1  }
0x27: {  	v0 =	vadd.s32 $0x7530, v0  }
0x28: {  	v6 =	vadd.s32 $0x7530, v5;
	v5 =	vadd.s32 $0x4E20, v5  }
0x29: {  	v7 =	vadd.s32 $0x2710, v3;
	v1 =	vld.idx.msk [tilespmem:v1+s2+$0x0], $0xffff  }
0x2a: {  	v2 =	vld.idx.msk [tilespmem:v2+s2+$0x0], $0xffff  }
0x2b: {  	v4 =	vld.idx.msk [tilespmem:v4+s2+$0x0], $0xffff  }
0x2c: {  	v0 =	vld.idx.msk [tilespmem:v0+s2+$0x0], $0xffff  }
0x2d: {  	v5 =	vld.idx.msk [tilespmem:v5+s2+$0x0], $0xffff  }
0x2e: {  	v7 =	vld.idx.msk [tilespmem:v7+s2+$0x0], $0xffff;
	v8 =	vshll.u32 v1, $0x10  }
0x2f: {  	v3 =	vld.idx.msk [tilespmem:v3+s2+$0x0], $0xffff;
	v1 =	vand.u32 $0xFFFF0000, v1;
	v9 =	vshll.u32 v2, $0x10;
	v2 =	vand.u32 $0xFFFF0000, v2  }
0x30: {  	v10 =	vshll.u32 v4, $0x10;
	v4 =	vand.u32 $0xFFFF0000, v4;
	v8 =	vadd.f32 v9, v8  }
0x31: {  	v6 =	vld.idx.msk [tilespmem:v6+s2+$0x0], $0xffff;
	v1 =	vadd.f32 v2, v1;
	v2 =	vand.u32 $0xFFFF0000, v0;
	v0 =	vshll.u32 v0, $0x10  }
0x32: {  	v11 =	vand.u32 $0xFFFF0000, v5;
	v0 =	vadd.f32 v0, v10;
	v8 =	vadd.f32 v8, v8  }
0x33: {  	v12 =	vshll.u32 v7, $0x10;
	v2 =	vadd.f32 v2, v4;
	v1 =	vadd.f32 v1, v1  }
0x34: {  	v4 =	vshll.u32 v3, $0x10;
	v0 =	vadd.f32 v0, v0;
	v8 =	vmul.f32 $1.442695020e+00, v8  }
0x35: {  	s20 =	simm.s32 $0x9CB0;
	v3 =	vand.u32 $0xFFFF0000, v3;
	v2 =	vadd.f32 v2, v2;
	v1 =	vmul.f32 $1.442695020e+00, v1  }
0x36: {  	v9 =	vld [tilespmem:s20+$0xFFFFFFF0];
	v10 =	vshll.u32 v6, $0x10;
	v0 =	vmul.f32 $1.442695020e+00, v0;
	(erf) = vpow2.f32 v8  }
0x37: {  	s22 =	simm.s32 $0xB130;
	v3 =	vadd.f32 v11, v3;
	v2 =	vmul.f32 $1.442695020e+00, v2;
	v8 =	vld [tilespmem:s20+$0x0];
	(erf) = vpow2.f32 v1  }
0x38: {  	v1 =	vld [tilespmem:s22+$0x0];
	(erf) = vpow2.f32 v0;
	v0 =	vshll.u32 v5, $0x10;
	v5 =	vadd.f32 v10, v12  }
0x39: {  	(erf) = vpow2.f32 v2  }
0x3a: {  	v2 =	vadd.f32 v3, v3;
	v3 =	vadd.f32 v5, v5  }
0x3b: {  	v10 =	vld [tilespmem:s22+$0xFFFFFFF0]  }
0x3c: {  	v0 =	vadd.f32 v0, v4;
	v4 =	vadd.s32 $0x2710, v8;
	v3 =	vmul.f32 $1.442695020e+00, v3  }
0x3d: {  	v2 =	vmul.f32 $1.442695020e+00, v2;
	v5 =	vadd.s32 $0x4E20, v1  }
0x3e: {  	v0 =	vadd.f32 v0, v0;
	v1 =	vadd.s32 $0x7530, v1  }
0x3f: {  	v6 =	vand.u32 $0xFFFF0000, v6;
	v11 =	vld.idx.msk [tilespmem:v9+s2+$0x0], $0xffff;
	(erf) = vpow2.f32 v2;
	v2 =	vand.u32 $0xFFFF0000, v7;
	v7 =	vpop (erf)  }
0x40: {  	v0 =	vmul.f32 $1.442695020e+00, v0;
	v12 =	vadd.s32 $0x7530, v10;
	v8 =	vld.idx.msk [tilespmem:v8+s2+$0x0], $0xffff;
	(erf) = vpow2.f32 v3;
	v3 =	vpop (erf)  }
0x41: {  	v2 =	vadd.f32 v6, v2;
	v4 =	vld.idx.msk [tilespmem:v4+s2+$0x0], $0xffff;
	v6 =	vadd.f32 $1.000000000e+00, v7;
	v7 =	vadd.s32 $0x2710, v9;
	v9 =	vpop (erf)  }
0x42: {  	(erf) = vpow2.f32 v0;
	v5 =	vld.idx.msk [tilespmem:v5+s2+$0x0], $0xffff;
	v3 =	vadd.f32 $1.000000000e+00, v3;
	v13 =	vpop (erf)  }
0x43: {  	v1 =	vld.idx.msk [tilespmem:v1+s2+$0x0], $0xffff;
	(erf) = vrcp.f32 v6;
	v6 =	vadd.f32 $1.000000000e+00, v9;
	v9 =	vadd.f32 $1.000000000e+00, v13  }
0x44: {  	v10 =	vadd.s32 $0x4E20, v10;
	v14 =	vadd.f32 v2, v2;
	(erf) = vrcp.f32 v3  }
0x45: {  	v2 =	vshll.u32 v11, $0x10;
	(erf) = vrcp.f32 v9;
	v9 =	vshll.u32 v8, $0x10  }
0x46: {  	v0 =	vld.idx.msk [tilespmem:v12+s2+$0x0], $0xffff;
	v3 =	vmul.f32 $1.442695020e+00, v14;
	v8 =	vand.u32 $0xFFFF0000, v8;
	v12 =	vshll.u32 v4, $0x10  }
0x47: {  	(erf) = vrcp.f32 v6;
	v6 =	vshll.u32 v5, $0x10;
	v5 =	vand.u32 $0xFFFF0000, v5  }
0x48: {  	v13 =	vand.u32 $0xFFFF0000, v1;
	v1 =	vshll.u32 v1, $0x10;
	v6 =	vadd.f32 v6, v9;
	v9 =	vpop (erf)  }
0x49: {  	v7 =	vld.idx.msk [tilespmem:v7+s2+$0x0], $0xffff;
	v8 =	vadd.f32 v5, v8;
	(erf) = vpow2.f32 v3;
	v1 =	vadd.f32 v1, v12;
	v14 =	vpop (erf)  }
0x4a: {  	v15 =	vld.idx.msk [tilespmem:v10+s2+$0x0], $0xffff;
	v4 =	vand.u32 $0xFFFF0000, v4;
	v3 =	vadd.f32 v6, v6;
	v6 =	vadd.f32 $1.000000000e+00, v14  }
0x4b: {  	v11 =	vand.u32 $0xFFFF0000, v11;
	v4 =	vadd.f32 v13, v4;
	v12 =	vadd.f32 v8, v8;
	v10 =	vpop (erf)  }
0x4c: {  	v9 =	vadd.f32 $1.000000000e+00, v9;
	v10 =	vadd.f32 $1.000000000e+00, v10;
	(erf) = vrcp.f32 v6  }
0x4d: {  	v5 =	vshll.u32 v0, $0x10;
	v1 =	vadd.f32 v1, v1;
	v13 =	vadd.f32 v4, v4  }
0x4e: {  	s28 =	simm.s32 $0x0;
	s23 =	sand.u32 $0x3F00, s2;
	s31 =	simm.s32 $0x20;
	v8 =	vshll.u32 v7, $0x10;
	v16 =	vmul.f32 $1.442695020e+00, v3;
	v17 =	vpop (erf);
	(erf) = vrcp.f32 v10  }
0x4f: {  	s30 =	sadd.s32 $0x11780, s23;
	s29 =	sadd.s32 $0x11800, s23;
	s0 =	simm.s32 $0x0;
	v14 =	vshll.u32 v15, $0x10;
	v3 =	vand.u32 $0xFFFF0000, v7;
	v7 =	vand.u32 $0xFFFF0000, v15;
	v6 =	vpop (erf)  }
0x50: {  	s1 =	sadd.s32 $0xEE80, s23;
	s13 =	simm.s32 $0xFFFFFFE0;
	s16 =	simm.s32 $0x20;
	v13 =	vmul.f32 $1.442695020e+00, v13;
	v11 =	vadd.f32 v7, v11;
	(erf) = vpow2.f32 v16;
	v4 =	vpop (erf)  }
0x51: {  	s14 =	simm.s32 $0x0;
	s17 =	simm.s32 $0x9CD0;
	s19 =	simm.s32 $0xB150;
	v7 =	vadd.f32 v17, v17;
	v10 =	vmul.f32 $1.442695020e+00, v12;
	v12 =	vmul.f32 $1.442695020e+00, v1;
	v1 =	vpop (erf)  }
.LBB2_2:
0x52: {  	v15 =	vld [tilespmem:s17+$0xFFFFFFF0];
	v2 =	vadd.f32 v14, v2;
	v6 =	vadd.f32 v6, v6;
	s0 =	sadd.s32 $0x40, s0;
	(erf) = vrcp.f32 v9;
	v9 =	vpop (erf);
	s23 =	smov.u32 s16;
	s16 =	sadd.s32 $0x20, s16  }
0x53: {  	v5 =	vadd.f32 v5, v8;
	v14 =	vld [tilespmem:s17+$0x0];
	p0 =	slt.u32 s16, $0x1460;
	s20 =	sand.u32 $0x3F00, s0;
	(erf) = vpow2.f32 v10;
	v7 =	vsub.f32 $1.000000000e+00, v7  }
0x54: {  	v9 =	vadd.f32 $1.000000000e+00, v9;
	v8 =	vld [tilespmem:s19+$0x0];
	v2 =	vadd.f32 v2, v2;
	s3 =	sadd.s32 $0xEE80, s20;
	s22 =	sadd.s32 $0x11780, s20;
	s20 =	sadd.s32 $0x11800, s20;
	(erf) = vpow2.f32 v12  }
0x55: {  	s5 =	sadd.s32 $0x30, s13;
	v4 =	vadd.f32 v4, v4;
	s13 =	smov.u32 s28;
	v11 =	vadd.f32 v11, v11;
	s28 =	smov.u32 s23;
	v10 =	vld [tilespmem:s19+$0xFFFFFFF0];
	(erf) = vpow2.f32 v13;
	v12 =	vpop (erf)  }
0x56: {  	s5 =	sand.u32 $0x70, s5;
	v5 =	vadd.f32 v5, v5;
	v6 =	vsub.f32 $1.000000000e+00, v6;
	v2 =	vmul.f32 $1.442695020e+00, v2  }
0x57: {  	s6 =	sor.u32 s5, s1;
	v11 =	vmul.f32 $1.442695020e+00, v11;
	v12 =	vadd.f32 v12, v12;
	v13 =	vadd.s32 $0x2710, v15;
	v16 =	vpop (erf)  }
0x58: {  	v5 =	vmul.f32 $1.442695020e+00, v5;
	v17 =	vadd.s32 $0x2710, v14;
	[tilespmem:s6+$0x80] =	vst v6;
	(erf) = vrcp.f32 v9  }
0x59: {  	v16 =	vadd.f32 v16, v16;
	v6 =	vadd.s32 $0x4E20, v8;
	v8 =	vadd.s32 $0x7530, v8;
	v9 =	vpop (erf)  }
0x5a: {  	v4 =	vsub.f32 $1.000000000e+00, v4;
	v15 =	vld.idx.msk [tilespmem:v15+s2+$0x0], $0xffff;
	v18 =	vadd.s32 $0x4E20, v10;
	v10 =	vadd.s32 $0x7530, v10  }
0x5b: {  	v0 =	vand.u32 $0xFFFF0000, v0;
	v1 =	vadd.f32 v1, v1;
	s23 =	sand.u32 $0x60, s14;
	s14 =	smov.u32 s31;
	s31 =	smov.u32 s16;
	v16 =	vsub.f32 $1.000000000e+00, v16;
	v19 =	vpop (erf)  }
0x5c: {  	v0 =	vadd.f32 v0, v3;
	s9 =	sor.u32 s23, s1;
	s1 =	smov.u32 s3;
	v14 =	vld.idx.msk [tilespmem:v14+s2+$0x0], $0xffff;
	(erf) = vpow2.f32 v11;
	v3 =	vpop (erf);
	v11 =	vadd.f32 v19, v19  }
0x5d: {  	v1 =	vsub.f32 $1.000000000e+00, v1;
	v9 =	vadd.f32 $1.000000000e+00, v9;
	v17 =	vld.idx.msk [tilespmem:v17+s2+$0x0], $0xffff;
	(erf) = vpow2.f32 v5;
	v5 =	vpop (erf);
	[tilespmem:s9+$0x0] =	vst v16  }
0x5e: {  	s3 =	sor.u32 s5, s30;
	v12 =	vsub.f32 $1.000000000e+00, v12;
	v3 =	vadd.f32 $1.000000000e+00, v3;
	v6 =	vld.idx.msk [tilespmem:v6+s2+$0x0], $0xffff;
	(erf) = vpow2.f32 v2;
	v2 =	vpop (erf);
	[tilespmem:s6+$0x0] =	vst v7  }
0x5f: {  	v7 =	vld.idx.msk [tilespmem:v8+s2+$0x0], $0xffff;
	v8 =	vadd.f32 v0, v0;
	(erf) = vrcp.f32 v9;
	v9 =	vsub.f32 $1.000000000e+00, v11;
	[tilespmem:s3+$0x0] =	vst v1;
	s3 =	sor.u32 s5, s29  }
0x60: {  	v1 =	vadd.f32 $1.000000000e+00, v5;
	v5 =	vadd.f32 $1.000000000e+00, v2;
	v0 =	vld.idx.msk [tilespmem:v10+s2+$0x0], $0xffff;
	(erf) = vrcp.f32 v3;
	[tilespmem:s3+$0x0] =	vst v4  }
0x61: {  	v2 =	vshll.u32 v15, $0x10;
	v11 =	vld.idx.msk [tilespmem:v18+s2+$0x0], $0xffff;
	v3 =	vmul.f32 $1.442695020e+00, v8;
	v4 =	vpop (erf)  }
0x62: {  	v15 =	vand.u32 $0xFFFF0000, v15;
	s3 =	sor.u32 s23, s30;
	s30 =	smov.u32 s22;
	(erf) = vrcp.f32 v5;
	[tilespmem:s9+$0x80] =	vst v9;
	v4 =	vadd.f32 v4, v4  }
0x63: {  	v8 =	vand.u32 $0xFFFF0000, v14;
	v5 =	vshll.u32 v14, $0x10;
	(erf) = vrcp.f32 v1;
	[tilespmem:s3+$0x0] =	vst v12  }
0x64: {  	v9 =	vshll.u32 v6, $0x10;
	v6 =	vand.u32 $0xFFFF0000, v6;
	s3 =	sor.u32 s23, s29;
	s29 =	smov.u32 s20;
	v1 =	vld.idx.msk [tilespmem:v13+s2+$0x0], $0xffff;
	v4 =	vsub.f32 $1.000000000e+00, v4  }
0x65: {  	v10 =	vshll.u32 v17, $0x10;
	v9 =	vadd.f32 v9, v5;
	v6 =	vadd.f32 v6, v8;
	v12 =	vpop (erf)  }
0x66: {  	v13 =	vand.u32 $0xFFFF0000, v7;
	v5 =	vshll.u32 v0, $0x10;
	v8 =	vpop (erf);
	(erf) = vpow2.f32 v3;
	[tilespmem:s3+$0x0] =	vst v4  }
0x67: {  	v3 =	vshll.u32 v7, $0x10;
	v4 =	vadd.f32 v9, v9;
	v7 =	vadd.f32 $1.000000000e+00, v8;
	v8 =	vpop (erf)  }
0x68: {  	v9 =	vand.u32 $0xFFFF0000, v17;
	v10 =	vadd.f32 v3, v10;
	v14 =	vadd.f32 $1.000000000e+00, v8;
	v16 =	vpop (erf)  }
0x69: {  	v18 =	vadd.f32 v6, v6;
	v17 =	vmul.f32 $1.442695020e+00, v4;
	(erf) = vrcp.f32 v7;
	v6 =	vpop (erf)  }
.Ltmp0:
0x6a: {  	v8 =	vshll.u32 v1, $0x10;
	v7 =	vadd.f32 v13, v9;
	v9 =	vadd.f32 $1.000000000e+00, v12;
	(pc) =	sbr.rel @p0 .LBB2_2-.Ltmp0, $4  }
0x6b: {  	v3 =	vand.u32 $0xFFFF0000, v1;
	v12 =	vadd.f32 v10, v10;
	(erf) = vrcp.f32 v14;
	v4 =	vpop (erf)  }
0x6c: {  	v13 =	vand.u32 $0xFFFF0000, v11;
	v10 =	vmul.f32 $1.442695020e+00, v18;
	v7 =	vadd.f32 v7, v7;
	v1 =	vpop (erf)  }
0x6d: {  	v14 =	vshll.u32 v11, $0x10;
	v12 =	vmul.f32 $1.442695020e+00, v12;
	(erf) = vpow2.f32 v17  }
0x6e: {  	s17 =	sadd.s32 $0x20, s17;
	s19 =	sadd.s32 $0x20, s19;
	v11 =	vadd.f32 v13, v15;
	v13 =	vmul.f32 $1.442695020e+00, v7;
	v7 =	vadd.f32 v16, v16  }
0x6f: {  	(erf) = vrcp.f32 v9  }
0x70: {  	(erf) = vpow2.f32 v10  }
0x71: {  	(erf) = vpow2.f32 v12  }
0x72: {  	v5 =	vadd.f32 v5, v8;
	v8 =	vpop (erf);
	(erf) = vpow2.f32 v13  }
0x73: {  	v9 =	vadd.f32 v11, v11;
	v8 =	vadd.f32 $1.000000000e+00, v8  }
0x74: {  	v5 =	vadd.f32 v5, v5  }
0x75: {  	v2 =	vadd.f32 v14, v2;
	v10 =	vpop (erf);
	v9 =	vmul.f32 $1.442695020e+00, v9  }
0x76: {  	v5 =	vmul.f32 $1.442695020e+00, v5;
	(erf) = vrcp.f32 v8;
	v11 =	vpop (erf)  }
0x77: {  	v0 =	vand.u32 $0xFFFF0000, v0;
	v2 =	vadd.f32 v2, v2;
	(erf) = vpow2.f32 v9;
	v8 =	vpop (erf)  }
0x78: {  	v0 =	vadd.f32 v0, v3;
	(erf) = vpow2.f32 v5;
	v12 =	vpop (erf)  }
0x79: {  	v2 =	vmul.f32 $1.442695020e+00, v2;
	v9 =	vpop (erf)  }
0x7a: {  	v0 =	vadd.f32 v0, v0;
	v3 =	vadd.f32 $1.000000000e+00, v8;
	v5 =	vpop (erf)  }
0x7b: {  	(erf) = vpow2.f32 v2;
	v2 =	vadd.f32 $1.000000000e+00, v9;
	v8 =	vpop (erf)  }
0x7c: {  	v0 =	vmul.f32 $1.442695020e+00, v0;
	(erf) = vrcp.f32 v3;
	v3 =	vadd.f32 $1.000000000e+00, v8  }
0x7d: {  	v5 =	vadd.f32 $1.000000000e+00, v5;
	(erf) = vrcp.f32 v2  }
0x7e: {  	(erf) = vrcp.f32 v3  }
0x7f: {  	v2 =	vpop (erf);
	(erf) = vrcp.f32 v5  }
0x80: {  	(erf) = vpow2.f32 v0;
	v0 =	vpop (erf)  }
0x81: {  	v3 =	vpop (erf)  }
0x82: {  	v3 =	vadd.f32 $1.000000000e+00, v3;
	_ =	sdelay $0x1  }
0x83: {  	v5 =	vpop (erf)  }
0x84: {  	v5 =	vadd.f32 $1.000000000e+00, v5;
	v8 =	vpop (erf)  }
0x85: {  	v1 =	vadd.f32 v1, v1;
	v4 =	vadd.f32 v4, v4;
	(erf) = vrcp.f32 v3;
	v3 =	vpop (erf)  }
0x86: {  	s3 =	sadd.s32 $0x30, s13;
	v0 =	vadd.f32 $1.000000000e+00, v0;
	(erf) = vrcp.f32 v5;
	v5 =	vadd.f32 v6, v6;
	v9 =	vpop (erf)  }
0x87: {  	s3 =	sand.u32 $0x70, s3;
	v7 =	vsub.f32 $1.000000000e+00, v7;
	v6 =	vadd.f32 v11, v11;
	v11 =	vpop (erf)  }
0x88: {  	s5 =	sor.u32 s3, s1;
	v1 =	vsub.f32 $1.000000000e+00, v1;
	(erf) = vrcp.f32 v0;
	v5 =	vsub.f32 $1.000000000e+00, v5;
	v13 =	vpop (erf)  }
0x89: {  	s6 =	sand.u32 $0x60, s14;
	[tilespmem:s5+$0x0] =	vst v7;
	v6 =	vsub.f32 $1.000000000e+00, v6;
	v0 =	vadd.f32 $1.000000000e+00, v13  }
0x8a: {  	s9 =	sor.u32 s6, s1;
	v4 =	vsub.f32 $1.000000000e+00, v4;
	[tilespmem:s5+$0x80] =	vst v5;
	v5 =	vadd.f32 v12, v12  }
0x8b: {  	s13 =	sor.u32 s3, s30;
	v3 =	vadd.f32 v3, v3;
	[tilespmem:s9+$0x0] =	vst v6;
	(erf) = vrcp.f32 v0;
	v0 =	vadd.f32 v10, v10  }
0x8c: {  	s3 =	sor.u32 s3, s29;
	[tilespmem:s13+$0x0] =	vst v1;
	v5 =	vsub.f32 $1.000000000e+00, v5  }
0x8d: {  	s0 =	sadd.s32 $0x40, s0;
	v3 =	vsub.f32 $1.000000000e+00, v3;
	[tilespmem:s3+$0x0] =	vst v4;
	v0 =	vsub.f32 $1.000000000e+00, v0  }
0x8e: {  	s16 =	sadd.s32 $0x30, s28;
	s0 =	sand.u32 $0x3F00, s0;
	s14 =	sor.u32 s6, s30;
	v1 =	vadd.f32 v2, v2;
	v2 =	vpop (erf);
	[tilespmem:s9+$0x80] =	vst v5  }
0x8f: {  	s17 =	sadd.s32 $0xEE80, s0;
	s3 =	sand.u32 $0x70, s16;
	v4 =	vpop (erf);
	[tilespmem:s14+$0x0] =	vst v0;
	v0 =	vadd.f32 v8, v8  }
0x90: {  	v1 =	vsub.f32 $1.000000000e+00, v1;
	s20 =	sor.u32 s3, s17;
	v4 =	vadd.f32 v4, v4  }
0x91: {  	s19 =	sor.u32 s6, s29;
	[tilespmem:s20+$0x80] =	vst v3;
	v3 =	vpop (erf);
	v0 =	vsub.f32 $1.000000000e+00, v0  }
0x92: {  	s22 =	sand.u32 $0x60, s31;
	[tilespmem:s19+$0x0] =	vst v1;
	v3 =	vadd.f32 v3, v3;
	v1 =	vsub.f32 $1.000000000e+00, v4  }
0x93: {  	s5 =	sor.u32 s22, s17;
	v4 =	vadd.f32 v11, v11  }
0x94: {  	v5 =	vadd.f32 v9, v9;
	v3 =	vsub.f32 $1.000000000e+00, v3;
	[tilespmem:s5+$0x0] =	vst v1  }
0x95: {  	s9 =	sadd.s32 $0x11780, s0;
	v2 =	vadd.f32 v2, v2;
	v1 =	vsub.f32 $1.000000000e+00, v4;
	[tilespmem:s20+$0x0] =	vst v0;
	v0 =	vpop (erf)  }
0x96: {  	s0 =	sadd.s32 $0x11800, s0;
	s23 =	sor.u32 s3, s9;
	v4 =	vsub.f32 $1.000000000e+00, v5;
	[tilespmem:s5+$0x80] =	vst v3;
	v0 =	vadd.f32 v0, v0  }
0x97: {  	s3 =	sor.u32 s3, s0;
	[tilespmem:s23+$0x0] =	vst v1;
	v1 =	vsub.f32 $1.000000000e+00, v2  }
0x98: {  	s13 =	sor.u32 s22, s9;
	[tilespmem:s3+$0x0] =	vst v4;
	v0 =	vsub.f32 $1.000000000e+00, v0  }
0x99: {  	s0 =	sor.u32 s22, s0;
	[tilespmem:s13+$0x0] =	vst v1  }
0x9a: {  	s28 =	simm.s32 $0x0;
	s14 =	simm.s32 $0xEE80;
	[tilespmem:s0+$0x0] =	vst v0  }
0x9b: {  	[hbm4b:s7+s28] =	stream.linear.scatter [tilespmem:s14], [sflag:$0x4], $0x2900, $0x38;
	[tilespmem:$0x19280] =	vst v63  }
0x9c: {  	s16 =	simm.s32 $0x11780  }
0x9d: {  	[hbm4b:s10+s28] =	stream.linear.scatter [tilespmem:s16], [sflag:$0x4], $0x2900, $0x38;
	[tilespmem:$0x19280] =	vst v63  }
0x9e: {  	_ =	swait.ge [sflag:s21], $0x1480  }
0x9f: {  	[sflag:s21] =	ssyncset.done $0x0  }
0xa0: {  	[sflag:s21] =	ssyncadd.s32 $0xFFFFEB80  }
0xa1: {  	_ =	swait.ge [sflag:s21], $0x1480  }
0xa2: {  	[sflag:s21] =	ssyncset.done $0x0  }
0xa3: {  	s17 =	simm.s32 $0xDA10;
	[sflag:s21] =	ssyncadd.s32 $0xFFFFEB80  }
0xa4: {  	s19 =	simm.s32 $0xC590;
	v0 =	vld [tilespmem:s17+$0x0]  }
0xa5: {  	v1 =	vld [tilespmem:s19+$0x0];
	_ =	sdelay $0x1  }
0xa6: {  	v5 =	vld [tilespmem:s17+$0xFFFFFFF0]  }
0xa7: {  	v3 =	vld [tilespmem:s19+$0xFFFFFFF0]  }
0xa8: {  	v2 =	vadd.s32 $0x4E20, v0  }
0xa9: {  	v4 =	vadd.s32 $0x2710, v1  }
0xaa: {  	v0 =	vadd.s32 $0x7530, v0  }
0xab: {  	v6 =	vadd.s32 $0x7530, v5;
	v5 =	vadd.s32 $0x4E20, v5  }
0xac: {  	v7 =	vadd.s32 $0x2710, v3;
	v1 =	vld.idx.msk [tilespmem:v1+s2+$0x0], $0xffff  }
0xad: {  	v2 =	vld.idx.msk [tilespmem:v2+s2+$0x0], $0xffff  }
0xae: {  	v4 =	vld.idx.msk [tilespmem:v4+s2+$0x0], $0xffff  }
0xaf: {  	v0 =	vld.idx.msk [tilespmem:v0+s2+$0x0], $0xffff  }
0xb0: {  	v5 =	vld.idx.msk [tilespmem:v5+s2+$0x0], $0xffff  }
0xb1: {  	v7 =	vld.idx.msk [tilespmem:v7+s2+$0x0], $0xffff;
	v8 =	vshll.u32 v1, $0x10  }
0xb2: {  	v3 =	vld.idx.msk [tilespmem:v3+s2+$0x0], $0xffff;
	v1 =	vand.u32 $0xFFFF0000, v1;
	v9 =	vshll.u32 v2, $0x10;
	v2 =	vand.u32 $0xFFFF0000, v2  }
0xb3: {  	v10 =	vshll.u32 v4, $0x10;
	v4 =	vand.u32 $0xFFFF0000, v4;
	v8 =	vadd.f32 v9, v8  }
0xb4: {  	v6 =	vld.idx.msk [tilespmem:v6+s2+$0x0], $0xffff;
	v1 =	vadd.f32 v2, v1;
	v2 =	vand.u32 $0xFFFF0000, v0;
	v0 =	vshll.u32 v0, $0x10  }
0xb5: {  	v11 =	vand.u32 $0xFFFF0000, v5;
	v0 =	vadd.f32 v0, v10;
	v8 =	vadd.f32 v8, v8  }
0xb6: {  	v12 =	vshll.u32 v7, $0x10;
	v2 =	vadd.f32 v2, v4;
	v1 =	vadd.f32 v1, v1  }
0xb7: {  	v4 =	vshll.u32 v3, $0x10;
	v0 =	vadd.f32 v0, v0;
	v8 =	vmul.f32 $1.442695020e+00, v8  }
0xb8: {  	s20 =	simm.s32 $0xC5B0;
	v3 =	vand.u32 $0xFFFF0000, v3;
	v2 =	vadd.f32 v2, v2;
	v1 =	vmul.f32 $1.442695020e+00, v1  }
0xb9: {  	v9 =	vld [tilespmem:s20+$0xFFFFFFF0];
	v10 =	vshll.u32 v6, $0x10;
	v0 =	vmul.f32 $1.442695020e+00, v0;
	(erf) = vpow2.f32 v8  }
0xba: {  	s22 =	simm.s32 $0xDA30;
	v3 =	vadd.f32 v11, v3;
	v2 =	vmul.f32 $1.442695020e+00, v2;
	v8 =	vld [tilespmem:s20+$0x0];
	(erf) = vpow2.f32 v1  }
0xbb: {  	v1 =	vld [tilespmem:s22+$0x0];
	(erf) = vpow2.f32 v0;
	v0 =	vshll.u32 v5, $0x10;
	v5 =	vadd.f32 v10, v12  }
0xbc: {  	(erf) = vpow2.f32 v2  }
0xbd: {  	v2 =	vadd.f32 v3, v3;
	v3 =	vadd.f32 v5, v5  }
0xbe: {  	v10 =	vld [tilespmem:s22+$0xFFFFFFF0]  }
0xbf: {  	v0 =	vadd.f32 v0, v4;
	v4 =	vadd.s32 $0x2710, v8;
	v3 =	vmul.f32 $1.442695020e+00, v3  }
0xc0: {  	v2 =	vmul.f32 $1.442695020e+00, v2;
	v5 =	vadd.s32 $0x4E20, v1  }
0xc1: {  	v0 =	vadd.f32 v0, v0;
	v1 =	vadd.s32 $0x7530, v1  }
0xc2: {  	v6 =	vand.u32 $0xFFFF0000, v6;
	v11 =	vld.idx.msk [tilespmem:v9+s2+$0x0], $0xffff;
	(erf) = vpow2.f32 v2;
	v2 =	vand.u32 $0xFFFF0000, v7;
	v7 =	vpop (erf)  }
0xc3: {  	v0 =	vmul.f32 $1.442695020e+00, v0;
	v12 =	vadd.s32 $0x7530, v10;
	v8 =	vld.idx.msk [tilespmem:v8+s2+$0x0], $0xffff;
	(erf) = vpow2.f32 v3;
	v3 =	vpop (erf)  }
0xc4: {  	v2 =	vadd.f32 v6, v2;
	v4 =	vld.idx.msk [tilespmem:v4+s2+$0x0], $0xffff;
	v6 =	vadd.f32 $1.000000000e+00, v7;
	v7 =	vadd.s32 $0x2710, v9;
	v9 =	vpop (erf)  }
0xc5: {  	(erf) = vpow2.f32 v0;
	v5 =	vld.idx.msk [tilespmem:v5+s2+$0x0], $0xffff;
	v3 =	vadd.f32 $1.000000000e+00, v3;
	v13 =	vpop (erf)  }
0xc6: {  	v1 =	vld.idx.msk [tilespmem:v1+s2+$0x0], $0xffff;
	(erf) = vrcp.f32 v6;
	v6 =	vadd.f32 $1.000000000e+00, v9;
	v9 =	vadd.f32 $1.000000000e+00, v13  }
0xc7: {  	v10 =	vadd.s32 $0x4E20, v10;
	v14 =	vadd.f32 v2, v2;
	(erf) = vrcp.f32 v3  }
0xc8: {  	v2 =	vshll.u32 v11, $0x10;
	(erf) = vrcp.f32 v9;
	v9 =	vshll.u32 v8, $0x10  }
0xc9: {  	v0 =	vld.idx.msk [tilespmem:v12+s2+$0x0], $0xffff;
	v3 =	vmul.f32 $1.442695020e+00, v14;
	v8 =	vand.u32 $0xFFFF0000, v8;
	v12 =	vshll.u32 v4, $0x10  }
0xca: {  	(erf) = vrcp.f32 v6;
	v6 =	vshll.u32 v5, $0x10;
	v5 =	vand.u32 $0xFFFF0000, v5  }
0xcb: {  	v13 =	vand.u32 $0xFFFF0000, v1;
	v1 =	vshll.u32 v1, $0x10;
	v6 =	vadd.f32 v6, v9;
	v9 =	vpop (erf)  }
0xcc: {  	v7 =	vld.idx.msk [tilespmem:v7+s2+$0x0], $0xffff;
	v8 =	vadd.f32 v5, v8;
	(erf) = vpow2.f32 v3;
	v1 =	vadd.f32 v1, v12;
	v14 =	vpop (erf)  }
0xcd: {  	v15 =	vld.idx.msk [tilespmem:v10+s2+$0x0], $0xffff;
	v4 =	vand.u32 $0xFFFF0000, v4;
	v3 =	vadd.f32 v6, v6;
	v6 =	vadd.f32 $1.000000000e+00, v14  }
0xce: {  	v11 =	vand.u32 $0xFFFF0000, v11;
	v4 =	vadd.f32 v13, v4;
	v12 =	vadd.f32 v8, v8;
	v10 =	vpop (erf)  }
0xcf: {  	v9 =	vadd.f32 $1.000000000e+00, v9;
	v10 =	vadd.f32 $1.000000000e+00, v10;
	(erf) = vrcp.f32 v6  }
0xd0: {  	v5 =	vshll.u32 v0, $0x10;
	v1 =	vadd.f32 v1, v1;
	v13 =	vadd.f32 v4, v4  }
0xd1: {  	s31 =	simm.s32 $0x20;
	s23 =	sand.u32 $0x3F00, s28;
	v8 =	vshll.u32 v7, $0x10;
	v16 =	vmul.f32 $1.442695020e+00, v3;
	v17 =	vpop (erf);
	(erf) = vrcp.f32 v10  }
0xd2: {  	s29 =	simm.s32 $0x0;
	s1 =	sadd.s32 $0x16980, s23;
	s30 =	sadd.s32 $0x16A00, s23;
	v14 =	vshll.u32 v15, $0x10;
	v3 =	vand.u32 $0xFFFF0000, v7;
	v7 =	vand.u32 $0xFFFF0000, v15;
	v6 =	vpop (erf)  }
0xd3: {  	s13 =	simm.s32 $0xFFFFFFE0;
	s0 =	sor.u32 $0x14080, s23;
	s14 =	simm.s32 $0x0;
	v13 =	vmul.f32 $1.442695020e+00, v13;
	v11 =	vadd.f32 v7, v11;
	(erf) = vpow2.f32 v16;
	v4 =	vpop (erf)  }
0xd4: {  	s16 =	simm.s32 $0x20;
	s17 =	simm.s32 $0xC5D0;
	s19 =	simm.s32 $0xDA50;
	v7 =	vadd.f32 v17, v17;
	v10 =	vmul.f32 $1.442695020e+00, v12;
	v12 =	vmul.f32 $1.442695020e+00, v1;
	v1 =	vpop (erf)  }
.LBB2_4:
0xd5: {  	v15 =	vld [tilespmem:s17+$0xFFFFFFF0];
	v2 =	vadd.f32 v14, v2;
	v6 =	vadd.f32 v6, v6;
	s28 =	sadd.s32 $0x40, s28;
	(erf) = vrcp.f32 v9;
	v9 =	vpop (erf);
	s3 =	smov.u32 s16;
	s16 =	sadd.s32 $0x20, s16  }
0xd6: {  	v5 =	vadd.f32 v5, v8;
	v14 =	vld [tilespmem:s17+$0x0];
	p0 =	slt.u32 s16, $0x1460;
	s5 =	sand.u32 $0x3F00, s28;
	(erf) = vpow2.f32 v10;
	v7 =	vsub.f32 $1.000000000e+00, v7  }
0xd7: {  	v9 =	vadd.f32 $1.000000000e+00, v9;
	v8 =	vld [tilespmem:s19+$0x0];
	v2 =	vadd.f32 v2, v2;
	s6 =	sor.u32 $0x14080, s5;
	s22 =	sadd.s32 $0x16980, s5;
	s20 =	sadd.s32 $0x16A00, s5;
	(erf) = vpow2.f32 v12  }
0xd8: {  	v4 =	vadd.f32 v4, v4;
	v11 =	vadd.f32 v11, v11;
	s5 =	sadd.s32 $0x30, s13;
	s13 =	smov.u32 s29;
	s29 =	smov.u32 s3;
	v10 =	vld [tilespmem:s19+$0xFFFFFFF0];
	(erf) = vpow2.f32 v13;
	v12 =	vpop (erf)  }
0xd9: {  	v5 =	vadd.f32 v5, v5;
	v6 =	vsub.f32 $1.000000000e+00, v6;
	s3 =	sand.u32 $0x70, s5;
	v2 =	vmul.f32 $1.442695020e+00, v2  }
0xda: {  	v11 =	vmul.f32 $1.442695020e+00, v11;
	v12 =	vadd.f32 v12, v12;
	s5 =	sor.u32 s3, s0;
	v13 =	vadd.s32 $0x2710, v15;
	v16 =	vpop (erf)  }
0xdb: {  	v5 =	vmul.f32 $1.442695020e+00, v5;
	v17 =	vadd.s32 $0x2710, v14;
	[tilespmem:s5+$0x80] =	vst v6;
	(erf) = vrcp.f32 v9  }
0xdc: {  	v16 =	vadd.f32 v16, v16;
	v6 =	vadd.s32 $0x4E20, v8;
	v8 =	vadd.s32 $0x7530, v8;
	v9 =	vpop (erf)  }
0xdd: {  	v4 =	vsub.f32 $1.000000000e+00, v4;
	v15 =	vld.idx.msk [tilespmem:v15+s2+$0x0], $0xffff;
	v18 =	vadd.s32 $0x4E20, v10;
	v10 =	vadd.s32 $0x7530, v10  }
0xde: {  	v0 =	vand.u32 $0xFFFF0000, v0;
	s23 =	sand.u32 $0x60, s14;
	v1 =	vadd.f32 v1, v1;
	s14 =	smov.u32 s31;
	s31 =	smov.u32 s16;
	v16 =	vsub.f32 $1.000000000e+00, v16;
	v19 =	vpop (erf)  }
0xdf: {  	v0 =	vadd.f32 v0, v3;
	s9 =	sor.u32 s23, s0;
	s0 =	smov.u32 s6;
	v14 =	vld.idx.msk [tilespmem:v14+s2+$0x0], $0xffff;
	(erf) = vpow2.f32 v11;
	v3 =	vpop (erf);
	v11 =	vadd.f32 v19, v19  }
0xe0: {  	v1 =	vsub.f32 $1.000000000e+00, v1;
	v9 =	vadd.f32 $1.000000000e+00, v9;
	v17 =	vld.idx.msk [tilespmem:v17+s2+$0x0], $0xffff;
	(erf) = vpow2.f32 v5;
	v5 =	vpop (erf);
	[tilespmem:s9+$0x0] =	vst v16  }
0xe1: {  	v12 =	vsub.f32 $1.000000000e+00, v12;
	v3 =	vadd.f32 $1.000000000e+00, v3;
	v6 =	vld.idx.msk [tilespmem:v6+s2+$0x0], $0xffff;
	(erf) = vpow2.f32 v2;
	v2 =	vpop (erf);
	[tilespmem:s5+$0x0] =	vst v7;
	s5 =	sor.u32 s3, s1  }
0xe2: {  	s3 =	sor.u32 s3, s30;
	v7 =	vld.idx.msk [tilespmem:v8+s2+$0x0], $0xffff;
	v8 =	vadd.f32 v0, v0;
	(erf) = vrcp.f32 v9;
	v9 =	vsub.f32 $1.000000000e+00, v11;
	[tilespmem:s5+$0x0] =	vst v1  }
0xe3: {  	v1 =	vadd.f32 $1.000000000e+00, v5;
	v5 =	vadd.f32 $1.000000000e+00, v2;
	v0 =	vld.idx.msk [tilespmem:v10+s2+$0x0], $0xffff;
	(erf) = vrcp.f32 v3;
	[tilespmem:s3+$0x0] =	vst v4  }
0xe4: {  	v2 =	vshll.u32 v15, $0x10;
	v11 =	vld.idx.msk [tilespmem:v18+s2+$0x0], $0xffff;
	v3 =	vmul.f32 $1.442695020e+00, v8;
	v4 =	vpop (erf)  }
0xe5: {  	v15 =	vand.u32 $0xFFFF0000, v15;
	s3 =	sor.u32 s23, s1;
	s1 =	smov.u32 s22;
	(erf) = vrcp.f32 v5;
	[tilespmem:s9+$0x80] =	vst v9;
	v4 =	vadd.f32 v4, v4  }
0xe6: {  	v8 =	vand.u32 $0xFFFF0000, v14;
	v5 =	vshll.u32 v14, $0x10;
	(erf) = vrcp.f32 v1;
	[tilespmem:s3+$0x0] =	vst v12  }
0xe7: {  	v9 =	vshll.u32 v6, $0x10;
	v6 =	vand.u32 $0xFFFF0000, v6;
	s3 =	sor.u32 s23, s30;
	s30 =	smov.u32 s20;
	v1 =	vld.idx.msk [tilespmem:v13+s2+$0x0], $0xffff;
	v4 =	vsub.f32 $1.000000000e+00, v4  }
0xe8: {  	v10 =	vshll.u32 v17, $0x10;
	v9 =	vadd.f32 v9, v5;
	v6 =	vadd.f32 v6, v8;
	v12 =	vpop (erf)  }
0xe9: {  	v13 =	vand.u32 $0xFFFF0000, v7;
	v5 =	vshll.u32 v0, $0x10;
	v8 =	vpop (erf);
	(erf) = vpow2.f32 v3;
	[tilespmem:s3+$0x0] =	vst v4  }
0xea: {  	v3 =	vshll.u32 v7, $0x10;
	v4 =	vadd.f32 v9, v9;
	v7 =	vadd.f32 $1.000000000e+00, v8;
	v8 =	vpop (erf)  }
0xeb: {  	v9 =	vand.u32 $0xFFFF0000, v17;
	v10 =	vadd.f32 v3, v10;
	v14 =	vadd.f32 $1.000000000e+00, v8;
	v16 =	vpop (erf)  }
0xec: {  	v18 =	vadd.f32 v6, v6;
	v17 =	vmul.f32 $1.442695020e+00, v4;
	(erf) = vrcp.f32 v7;
	v6 =	vpop (erf)  }
.Ltmp1:
0xed: {  	v8 =	vshll.u32 v1, $0x10;
	v7 =	vadd.f32 v13, v9;
	v9 =	vadd.f32 $1.000000000e+00, v12;
	(pc) =	sbr.rel @p0 .LBB2_4-.Ltmp1, $4  }
0xee: {  	v3 =	vand.u32 $0xFFFF0000, v1;
	v12 =	vadd.f32 v10, v10;
	(erf) = vrcp.f32 v14;
	v4 =	vpop (erf)  }
0xef: {  	v13 =	vand.u32 $0xFFFF0000, v11;
	v10 =	vmul.f32 $1.442695020e+00, v18;
	v7 =	vadd.f32 v7, v7;
	v1 =	vpop (erf)  }
0xf0: {  	v14 =	vshll.u32 v11, $0x10;
	v12 =	vmul.f32 $1.442695020e+00, v12;
	(erf) = vpow2.f32 v17  }
0xf1: {  	s17 =	sadd.s32 $0x20, s17;
	s19 =	sadd.s32 $0x20, s19;
	v11 =	vadd.f32 v13, v15;
	v13 =	vmul.f32 $1.442695020e+00, v7;
	v7 =	vadd.f32 v16, v16  }
0xf2: {  	(erf) = vrcp.f32 v9  }
0xf3: {  	(erf) = vpow2.f32 v10  }
0xf4: {  	(erf) = vpow2.f32 v12  }
0xf5: {  	(erf) = vpow2.f32 v13;
	_ =	sdelay $0x1  }
0xf6: {  	v5 =	vadd.f32 v5, v8;
	v2 =	vadd.f32 v14, v2;
	v26 =	vpop (erf)  }
0xf7: {  	v27 =	vadd.f32 v11, v11;
	v8 =	vadd.f32 $1.000000000e+00, v26;
	v28 =	vpop (erf)  }
0xf8: {  	v5 =	vadd.f32 v5, v5;
	v29 =	vpop (erf)  }
0xf9: {  	v2 =	vadd.f32 v2, v2;
	v9 =	vmul.f32 $1.442695020e+00, v27;
	(erf) = vrcp.f32 v8;
	v30 =	vpop (erf)  }
0xfa: {  	v5 =	vmul.f32 $1.442695020e+00, v5;
	v31 =	vpop (erf)  }
0xfb: {  	v0 =	vand.u32 $0xFFFF0000, v0;
	v2 =	vmul.f32 $1.442695020e+00, v2;
	(erf) = vpow2.f32 v9;
	v32 =	vpop (erf)  }
0xfc: {  	v0 =	vadd.f32 v0, v3;
	(erf) = vpow2.f32 v5;
	v33 =	vadd.f32 $1.000000000e+00, v30;
	v34 =	vpop (erf)  }
0xfd: {  	(erf) = vpow2.f32 v2;
	v35 =	vadd.f32 $1.000000000e+00, v32;
	v36 =	vpop (erf)  }
0xfe: {  	v0 =	vadd.f32 v0, v0;
	(erf) = vrcp.f32 v33;
	v37 =	vadd.f32 $1.000000000e+00, v36  }
0xff: {  	v5 =	vadd.f32 $1.000000000e+00, v34;
	(erf) = vrcp.f32 v35  }
0x100: {  	v0 =	vmul.f32 $1.442695020e+00, v0;
	(erf) = vrcp.f32 v37  }
0x101: {  	(erf) = vrcp.f32 v5  }
0x102: {  	v38 =	vpop (erf);
	(erf) = vpow2.f32 v0;
	_ =	sdelay $0x1  }
0x103: {  	v39 =	vpop (erf)  }
0x104: {  	v40 =	vpop (erf)  }
0x105: {  	v41 =	vpop (erf)  }
0x106: {  	v42 =	vpop (erf)  }
0x107: {  	v3 =	vadd.f32 $1.000000000e+00, v40;
	v43 =	vpop (erf)  }
0x108: {  	v44 =	vadd.f32 v6, v6;
	v5 =	vadd.f32 $1.000000000e+00, v41;
	v46 =	vpop (erf)  }
0x109: {  	s3 =	sadd.s32 $0x30, s13;
	v45 =	vadd.f32 v29, v29;
	v0 =	vadd.f32 $1.000000000e+00, v39;
	(erf) = vrcp.f32 v3;
	v47 =	vpop (erf)  }
0x10a: {  	v1 =	vadd.f32 v1, v1;
	s3 =	sand.u32 $0x70, s3;
	v7 =	vsub.f32 $1.000000000e+00, v7;
	(erf) = vrcp.f32 v5;
	v48 =	vpop (erf)  }
0x10b: {  	s6 =	sand.u32 $0x60, s14;
	s5 =	sor.u32 s3, s0;
	v6 =	vsub.f32 $1.000000000e+00, v45;
	(erf) = vrcp.f32 v0;
	v49 =	vadd.f32 $1.000000000e+00, v48  }
0x10c: {  	v4 =	vadd.f32 v4, v4;
	s22 =	sor.u32 s6, s0;
	[tilespmem:s5+$0x0] =	vst v7;
	v5 =	vsub.f32 $1.000000000e+00, v44  }
0x10d: {  	v1 =	vsub.f32 $1.000000000e+00, v1;
	v50 =	vadd.f32 v31, v31;
	[tilespmem:s22+$0x0] =	vst v6;
	(erf) = vrcp.f32 v49  }
0x10e: {  	s9 =	sadd.s32 $0x40, s28;
	v4 =	vsub.f32 $1.000000000e+00, v4;
	s23 =	sor.u32 s3, s1;
	[tilespmem:s5+$0x80] =	vst v5;
	v3 =	vadd.f32 v43, v43  }
0x10f: {  	s16 =	sadd.s32 $0x30, s29;
	s13 =	sand.u32 $0x3F00, s9;
	s3 =	sor.u32 s3, s30;
	v51 =	vadd.f32 v28, v28;
	v5 =	vsub.f32 $1.000000000e+00, v50;
	[tilespmem:s23+$0x0] =	vst v1  }
0x110: {  	s14 =	sor.u32 s6, s1;
	s1 =	sand.u32 $0x70, s16;
	v52 =	vadd.f32 v38, v38;
	s5 =	sor.u32 $0x14080, s13;
	[tilespmem:s3+$0x0] =	vst v4;
	v3 =	vsub.f32 $1.000000000e+00, v3  }
0x111: {  	v55 =	vadd.f32 v42, v42;
	s19 =	sor.u32 s1, s5;
	[tilespmem:s22+$0x80] =	vst v5;
	v0 =	vsub.f32 $1.000000000e+00, v51  }
0x112: {  	v1 =	vsub.f32 $1.000000000e+00, v52;
	v57 =	vadd.f32 v47, v47;
	v53 =	vpop (erf);
	[tilespmem:s19+$0x80] =	vst v3  }
0x113: {  	s17 =	sor.u32 s6, s30;
	v58 =	vadd.f32 v46, v46;
	v54 =	vpop (erf);
	[tilespmem:s14+$0x0] =	vst v0;
	v0 =	vsub.f32 $1.000000000e+00, v55  }
0x114: {  	s9 =	sadd.s32 $0x16980, s13;
	v60 =	vsub.f32 $1.000000000e+00, v57;
	v4 =	vadd.f32 v54, v54;
	[tilespmem:s17+$0x0] =	vst v1;
	v59 =	vpop (erf)  }
0x115: {  	s3 =	sadd.s32 $0x16A00, s13;
	s22 =	sor.u32 s1, s9;
	v61 =	vsub.f32 $1.000000000e+00, v58;
	[tilespmem:s19+$0x0] =	vst v0;
	v3 =	vadd.f32 v59, v59  }
0x116: {  	s20 =	sand.u32 $0x60, s31;
	s23 =	sor.u32 s1, s3;
	v2 =	vadd.f32 v53, v53;
	v56 =	vsub.f32 $1.000000000e+00, v4;
	[tilespmem:s22+$0x0] =	vst v60;
	v62 =	vpop (erf)  }
0x117: {  	s5 =	sor.u32 s20, s5;
	[tilespmem:s23+$0x0] =	vst v61;
	v3 =	vsub.f32 $1.000000000e+00, v3;
	v0 =	vadd.f32 v62, v62  }
0x118: {  	v63 =	vsub.f32 $1.000000000e+00, v2;
	[tilespmem:s5+$0x0] =	vst v56  }
0x119: {  	s28 =	sor.u32 s20, s9;
	[tilespmem:s5+$0x80] =	vst v3;
	v0 =	vsub.f32 $1.000000000e+00, v0  }
0x11a: {  	s29 =	sor.u32 s20, s3;
	[tilespmem:s28+$0x0] =	vst v63  }
0x11b: {  	s30 =	simm.s32 $0x14080;
	[tilespmem:s29+$0x0] =	vst v0  }
0x11c: {  	[hbm4b:s8+s2] =	stream.linear.scatter [tilespmem:s30], [sflag:$0x5], $0x2900, $0x38;
	[tilespmem:$0x19280] =	vst v63  }
0x11d: {  	s31 =	simm.s32 $0x16980  }
0x11e: {  	[hbm4b:s11+s2] =	stream.linear.scatter [tilespmem:s31], [sflag:$0x5], $0x2900, $0x38;
	[tilespmem:$0x19280] =	vst v63  }
0x11f: {  	_ =	swait.ge [sflag:s24], $0x2900  }
0x120: {  	[sflag:s24] =	ssyncset.done $0x0  }
0x121: {  	[sflag:s24] =	ssyncadd.s32 $0xFFFFD700  }
0x122: {  	_ =	swait.ge [sflag:s24], $0x2900  }
0x123: {  	[sflag:s24] =	ssyncset.done $0x0  }
0x124: {  	s26 =	sadd.s32 $0x1, s26;
	[sflag:s24] =	ssyncadd.s32 $0xFFFFD700  }
0x125: {  	p0 =	sne.s32 s26, s12;
	_ =	swait.ge [sflag:s25], $0x2900  }
.Ltmp2:
0x126: {  	[sflag:s25] =	ssyncset.done $0x0;
	(pc) =	sbr.rel @p0 .LBB2_1-.Ltmp2, $4  }
0x127: {  	[sflag:s25] =	ssyncadd.s32 $0xFFFFD700  }
0x128: {  	_ =	swait.ge [sflag:s25], $0x2900  }
0x129: {  	[sflag:s25] =	ssyncset.done $0x0  }
0x12a: {  	[sflag:s25] =	ssyncadd.s32 $0xFFFFD700  }
0x12b: {  	_ =	sfence.sel $0x180000  }
0x12c: {  	[bflag:$0x0] =	sbarrier.arrive $0xFFFF  }
0x12d: {  	_ =	strace $0x90000047  }
0x12e: {  	s0 =	stileid.u32;
	[bflag:$0x2] =	sbarrier.arrive $0xFFFF  }
0x12f: {  	p0 =	sne.s32 s0, $0x0;
	s0 =	rddreg [dreg:$0x2]  }
0x130: {  	s0 =	sadd.s32 @!p0 $0x100000, s0  }
0x131: {  	[sflag:s0] =	ssyncadd.tile.s32 @!p0 $0x1;
	_ =	shalt  }
.Lfunc_end2:
_tile_overlayer_lowered:
.L_overlay_start_2:
0x132: {  	(tag) =	ssettag $0x2  }
0x133: {  	s0 =	rddreg [dreg:$0x0];
	s2 =	stileid.u32  }
0x134: {  	s1 =	rddreg [dreg:$0x1];
	p0 =	sne.s32 s2, $0x0  }
0x135: {  	s3 =	rddreg [dreg:$0x2];
	[bflag:$0x3] =	sbarrier.arrive $0xFFFF;
	s2 =	simm.s32 @!p0 $0x1C06  }
0x136: {  	[timem:s3], [sflag:s2] =	dma.local @!p0 [hbm:s0], s1  }
0x137: {  	s0 =	simm.s32 @!p0 $0x6  }
0x138: {  	_ =	swait.ge @!p0 [sflag:s0], s1  }
0x139: {  	s1 =	ssub.s32 @!p0 $0x0, s1;
	[sflag:s0] =	ssyncset.done @!p0 $0x0  }
0x13a: {  	[sflag:s0] =	ssyncadd.s32 @!p0 s1  }
0x13b: {  	[bflag:$0x3] =	sbarrier.arrive $0xFFFF  }
0x13c: {  	_ =	shalt  }

</sc_bundles>
